<compile_context>
chip_gen: v7x
topology: tpu7x:2x2x1
jax: 0.10.2.dev20260603
libtpu: 0.0.44.dev20260713+nightly
codegen_flags: <defaults>
</compile_context>

<pallas_src>
import functools

import jax
import jax.numpy as jnp
from jax import lax
from jax.experimental import pallas as pl
from jax.experimental.pallas import tpu as pltpu
from jax.experimental.pallas import tpu_sc as plsc

N = 20000
MAX_DET = 100
IOU_THRESH = 0.5
SCORE_THRESH = 0.05
IMG_SIZE = 416.0

NUM_TILES = 16
LANES = 16
PAD_N = 20480
PER_TILE = PAD_N // NUM_TILES
CHUNKS = PER_TILE // LANES
NEG = -1.0e30
BIG = 3.0e38


def _lanes_f32():
    return lax.iota(jnp.int32, LANES).astype(jnp.float32)


def _build_record(vals):
    li = lax.iota(jnp.int32, LANES)
    rec = jnp.zeros((LANES,), jnp.float32)
    for k, v in enumerate(vals):
        rec = jnp.where(li == k, v, rec)
    return rec


def _nms_body(cx_hbm, cy_hbm, w_hbm, h_hbm, s_hbm, out_hbm,
              x1, y1, x2, y2, area, sc, recbuf, rec_all, outbuf, shared):
    wid = lax.axis_index("s")
    base = wid * PER_TILE

    pltpu.sync_copy(cx_hbm.at[pl.ds(base, PER_TILE)], x1)
    pltpu.sync_copy(w_hbm.at[pl.ds(base, PER_TILE)], x2)
    pltpu.sync_copy(cy_hbm.at[pl.ds(base, PER_TILE)], y1)
    pltpu.sync_copy(h_hbm.at[pl.ds(base, PER_TILE)], y2)
    pltpu.sync_copy(s_hbm.at[pl.ds(base, PER_TILE)], sc)

    lanes = _lanes_f32()

    def decode_chunk(c, carry):
        bv, bi = carry
        d = pl.ds(c * LANES, LANES)
        cxv = x1[d] * IMG_SIZE
        wv = x2[d] * IMG_SIZE
        cyv = y1[d] * IMG_SIZE
        hv = y2[d] * IMG_SIZE
        x1v = cxv - wv * 0.5
        x2v = cxv + wv * 0.5
        y1v = cyv - hv * 0.5
        y2v = cyv + hv * 0.5
        x1[d] = x1v
        x2[d] = x2v
        y1[d] = y1v
        y2[d] = y2v
        area[d] = jnp.maximum(x2v - x1v, 0.0) * jnp.maximum(y2v - y1v, 0.0)
        sv = sc[d]
        sv = jnp.where(sv > SCORE_THRESH, sv, NEG)
        sc[d] = sv
        idxv = (base + c * LANES).astype(jnp.float32) + lanes
        upd = sv > bv
        return jnp.where(upd, sv, bv), jnp.where(upd, idxv, bi)

    bv0 = jnp.full((LANES,), -BIG, jnp.float32)
    bi0 = jnp.zeros((LANES,), jnp.float32)
    bv, bi = lax.fori_loop(0, CHUNKS, decode_chunk, (bv0, bi0))

    def step(d, carry):
        bv, bi = carry
        lval = jnp.max(bv)
        lidx = jnp.min(jnp.where(bv == lval, bi, BIG))
        off = lidx.astype(jnp.int32) - base
        offv = jnp.zeros((LANES,), jnp.int32) + off
        gx1 = plsc.load_gather(x1, [offv])
        gy1 = plsc.load_gather(y1, [offv])
        gx2 = plsc.load_gather(x2, [offv])
        gy2 = plsc.load_gather(y2, [offv])
        gar = plsc.load_gather(area, [offv])
        recbuf[...] = _build_record([lval, lidx, gx1, gy1, gx2, gy2, gar])
        pbase = (d % 2) * (NUM_TILES * LANES)
        pltpu.sync_copy(recbuf, shared.at[pl.ds(pbase + wid * LANES, LANES)])
        plsc.subcore_barrier()
        pltpu.sync_copy(shared.at[pl.ds(pbase, NUM_TILES * LANES)], rec_all)

        li = lax.iota(jnp.int32, LANES)

        vals = plsc.load_gather(rec_all, [li * LANES])
        wv_ = jnp.max(vals)
        wtf = jnp.min(jnp.where(vals == wv_, lanes, BIG))
        rbase = wtf.astype(jnp.int32) * LANES
        rbv = jnp.zeros((LANES,), jnp.int32) + rbase
        wrec = rec_all[pl.ds(rbase, LANES)]
        wi_ = plsc.load_gather(rec_all, [rbv + 1])
        wx1 = plsc.load_gather(rec_all, [rbv + 2])
        wy1 = plsc.load_gather(rec_all, [rbv + 3])
        wx2 = plsc.load_gather(rec_all, [rbv + 4])
        wy2 = plsc.load_gather(rec_all, [rbv + 5])
        war = plsc.load_gather(rec_all, [rbv + 6])

        @pl.when(wid == 0)
        def _():
            valid = wv_ > 0.0
            z = jnp.float32(0.0)
            outbuf[d] = _build_record([
                jnp.where(valid, wx1, z),
                jnp.where(valid, wy1, z),
                jnp.where(valid, wx2, z),
                jnp.where(valid, wy2, z),
                jnp.where(valid, wv_, z),
            ])

        def sweep(c, carry):
            bv, bi = carry
            dd = pl.ds(c * LANES, LANES)
            x1v = x1[dd]
            y1v = y1[dd]
            x2v = x2[dd]
            y2v = y2[dd]
            ix1 = jnp.maximum(wx1, x1v)
            iy1 = jnp.maximum(wy1, y1v)
            ix2 = jnp.minimum(wx2, x2v)
            iy2 = jnp.minimum(wy2, y2v)
            inter = jnp.maximum(ix2 - ix1, 0.0) * jnp.maximum(iy2 - iy1, 0.0)
            union = war + area[dd] - inter
            iou = inter / jnp.maximum(union, 1e-9)
            idxv = (base + c * LANES).astype(jnp.float32) + lanes
            supp = (iou > IOU_THRESH) | (idxv == wi_)
            nv = jnp.where(supp, NEG, sc[dd])
            sc[dd] = nv
            upd = nv > bv
            return jnp.where(upd, nv, bv), jnp.where(upd, idxv, bi)

        bvn = jnp.full((LANES,), -BIG, jnp.float32)
        bin_ = jnp.zeros((LANES,), jnp.float32)
        return lax.fori_loop(0, CHUNKS, sweep, (bvn, bin_))

    lax.fori_loop(0, MAX_DET, step, (bv, bi))

    @pl.when(wid == 0)
    def _():
        pltpu.sync_copy(outbuf, out_hbm)


@jax.jit
def _nms_sc(cx, cy, w, h, s):
    mesh = plsc.VectorSubcoreMesh(
        core_axis_name="c", subcore_axis_name="s",
        num_cores=1, num_subcores=NUM_TILES)
    f = functools.partial(
        pl.kernel,
        out_type=jax.ShapeDtypeStruct((MAX_DET, LANES), jnp.float32),
        mesh=mesh,
        compiler_params=pltpu.CompilerParams(needs_layout_passes=False),
        scratch_types=[
            pltpu.VMEM((PER_TILE,), jnp.float32),
            pltpu.VMEM((PER_TILE,), jnp.float32),
            pltpu.VMEM((PER_TILE,), jnp.float32),
            pltpu.VMEM((PER_TILE,), jnp.float32),
            pltpu.VMEM((PER_TILE,), jnp.float32),
            pltpu.VMEM((PER_TILE,), jnp.float32),
            pltpu.VMEM((LANES,), jnp.float32),
            pltpu.VMEM((NUM_TILES * LANES,), jnp.float32),
            pltpu.VMEM((MAX_DET, LANES), jnp.float32),
            pltpu.VMEM_SHARED((2 * NUM_TILES * LANES,), jnp.float32),
        ],
    )(_nms_body)
    return f(cx, cy, w, h, s)


def kernel(boxes, scores):
    pad = PAD_N - N
    cx = jnp.pad(boxes[:, 0], (0, pad))
    cy = jnp.pad(boxes[:, 1], (0, pad))
    w = jnp.pad(boxes[:, 2], (0, pad))
    h = jnp.pad(boxes[:, 3], (0, pad))
    s = jnp.pad(scores, (0, pad))
    out = _nms_sc(cx, cy, w, h, s)
    return out[:, :5]

# --- scband reference (transcript-rebuilt; emitter-appended) ---
"""Pipeline reference for scband-yolov3-head-22179211117153 (READ-ONLY COPY).

The authoritative reference and input builder live on the scoring server;
editing this copy changes nothing except your own understanding.
"""

import jax, jax.numpy as jnp
import numpy as np

N = 20000
MAX_DET = 100
IOU_THRESH = 0.5
SCORE_THRESH = 0.05
IMG_SIZE = 416.0


def setup_inputs(seed: int = 0) -> dict:
    key = jax.random.key(seed)
    k1, k2 = jax.random.split(key)
    boxes = jax.random.uniform(k1, (N, 4), dtype=jnp.float32)
    scores = jax.random.uniform(k2, (N,), dtype=jnp.float32)
    return {"boxes": boxes, "scores": scores}


def _decode(boxes):
    # BoxCoder-style decode: interpret raw predictions as normalized (cx, cy, w, h)
    # in [0,1), scale to image coords, convert to (x1, y1, x2, y2).
    cx = boxes[:, 0] * IMG_SIZE
    cy = boxes[:, 1] * IMG_SIZE
    w = boxes[:, 2] * IMG_SIZE
    h = boxes[:, 3] * IMG_SIZE
    x1 = cx - w * 0.5
    y1 = cy - h * 0.5
    x2 = cx + w * 0.5
    y2 = cy + h * 0.5
    return jnp.stack([x1, y1, x2, y2], axis=1)


def _iou_one_vs_all(box, boxes):
    # box: [4], boxes: [N, 4]
    ix1 = jnp.maximum(box[0], boxes[:, 0])
    iy1 = jnp.maximum(box[1], boxes[:, 1])
    ix2 = jnp.minimum(box[2], boxes[:, 2])
    iy2 = jnp.minimum(box[3], boxes[:, 3])
    iw = jnp.maximum(ix2 - ix1, 0.0)
    ih = jnp.maximum(iy2 - iy1, 0.0)
    inter = iw * ih
    area1 = jnp.maximum(box[2] - box[0], 0.0) * jnp.maximum(box[3] - box[1], 0.0)
    area2 = jnp.maximum(boxes[:, 2] - boxes[:, 0], 0.0) * jnp.maximum(boxes[:, 3] - boxes[:, 1], 0.0)
    union = area1 + area2 - inter
    return inter / jnp.maximum(union, 1e-9)


def _nms(boxes_xyxy, scores):
    n = boxes_xyxy.shape[0]
    idxs = jnp.arange(n)
    # score-threshold filter (post-processor behavior)
    scores_rem0 = jnp.where(scores > SCORE_THRESH, scores, -jnp.inf)

    def step(scores_rem, _):
        best = jnp.argmax(scores_rem)  # greedy: highest remaining score
        best_score = scores_rem[best]
        best_box = boxes_xyxy[best]
        ious = _iou_one_vs_all(best_box, boxes_xyxy)
        suppress = (ious > IOU_THRESH) | (idxs == best)
        new_scores = jnp.where(suppress, -jnp.inf, scores_rem)
        return new_scores, (best_box, best_score)

    _, (keep_boxes, keep_scores) = jax.lax.scan(step, scores_rem0, None, length=MAX_DET)
    valid = jnp.isfinite(keep_scores)
    keep_scores = jnp.where(valid, keep_scores, 0.0)
    keep_boxes = jnp.where(valid[:, None], keep_boxes, 0.0)
    # greedy selection yields detections already sorted by descending score,
    # matching the final sort in _forward_test
    return jnp.concatenate([keep_boxes, keep_scores[:, None]], axis=1)


def reference(boxes, scores):
    boxes_xyxy = _decode(boxes)
    return _nms(boxes_xyxy, scores)

if __name__ == "__main__":
    import jax
    _d = setup_inputs()
    print(jax.jit(kernel)(*tuple(_d.values())))

</pallas_src>

<mosaic_0001>
#map = affine_map<(d0, d1) -> (0)>
#map1 = affine_map<(d0, d1) -> (0, 0)>
module attributes {stable_mosaic.version = 14 : i64} {
  func.func @_nms_body(%arg0: i32, %arg1: i32, %arg2: memref<20480xf32, #tpu.memory_space<hbm>>, %arg3: memref<20480xf32, #tpu.memory_space<hbm>>, %arg4: memref<20480xf32, #tpu.memory_space<hbm>>, %arg5: memref<20480xf32, #tpu.memory_space<hbm>>, %arg6: memref<20480xf32, #tpu.memory_space<hbm>>, %arg7: memref<100x16xf32, #tpu.memory_space<hbm>>, %arg8: memref<1280xf32, #tpu.memory_space<vmem>>, %arg9: memref<1280xf32, #tpu.memory_space<vmem>>, %arg10: memref<1280xf32, #tpu.memory_space<vmem>>, %arg11: memref<1280xf32, #tpu.memory_space<vmem>>, %arg12: memref<1280xf32, #tpu.memory_space<vmem>>, %arg13: memref<1280xf32, #tpu.memory_space<vmem>>, %arg14: memref<16xf32, #tpu.memory_space<vmem>>, %arg15: memref<256xf32, #tpu.memory_space<vmem>>, %arg16: memref<100x16xf32, #tpu.memory_space<vmem>>, %arg17: memref<512xf32, #tpu.memory_space<vmem_shared>>) attributes {dimension_semantics = [#tpu.dimension_semantics<core_parallel>, #tpu.dimension_semantics<subcore_parallel>], iteration_bounds = array<i64: 1, 16>, scalar_prefetch = 0 : i64, scratch_operands = 10 : i64, tpu.core_type = #tpu.core_type<sc_vector_subcore>, window_params = [{transform_indices = #map}, {transform_indices = #map}, {transform_indices = #map}, {transform_indices = #map}, {transform_indices = #map}, {transform_indices = #map1}]} {
    %mul3A = arith.constant 1280 : i32
    %mul3A_0 = arith.muli %arg1, %mul3A : i32
    "tpu.region"() ({
      %run_scoped3A = tpu.sem_alloc : memref<!tpu.dma_semaphore, #tpu.memory_space<semaphore_mem>>
      %dma_start3A = tpu.memref_slice %arg2[%mul3A_0] : memref<20480xf32, #tpu.memory_space<hbm>> -> memref<1280xf32, #tpu.memory_space<hbm>>
      %dma_start3A_18 = tpu.memref_slice %arg2[%mul3A_0] : memref<20480xf32, #tpu.memory_space<hbm>> -> memref<1280xf32, #tpu.memory_space<hbm>>
      tpu.enqueue_dma source(%dma_start3A_18 : memref<1280xf32, #tpu.memory_space<hbm>>) target(%arg8 : memref<1280xf32, #tpu.memory_space<vmem>>) target_semaphore(%run_scoped3A : memref<!tpu.dma_semaphore, #tpu.memory_space<semaphore_mem>>)
      %dma_wait3A = tpu.memref_slice %arg2[%mul3A_0] : memref<20480xf32, #tpu.memory_space<hbm>> -> memref<1280xf32, #tpu.memory_space<hbm>>
      %dma_wait3A_19 = tpu.memref_slice %arg2[%mul3A_0] : memref<20480xf32, #tpu.memory_space<hbm>> -> memref<1280xf32, #tpu.memory_space<hbm>>
      tpu.wait_dma2 semaphore(%run_scoped3A : memref<!tpu.dma_semaphore, #tpu.memory_space<semaphore_mem>>) src(%dma_wait3A_19 : memref<1280xf32, #tpu.memory_space<hbm>>) dst(%arg8 : memref<1280xf32, #tpu.memory_space<vmem>>)
      tpu.yield
    }) : () -> ()
    "tpu.region"() ({
      %run_scoped3A = tpu.sem_alloc : memref<!tpu.dma_semaphore, #tpu.memory_space<semaphore_mem>>
      %dma_start3A = tpu.memref_slice %arg4[%mul3A_0] : memref<20480xf32, #tpu.memory_space<hbm>> -> memref<1280xf32, #tpu.memory_space<hbm>>
      %dma_start3A_18 = tpu.memref_slice %arg4[%mul3A_0] : memref<20480xf32, #tpu.memory_space<hbm>> -> memref<1280xf32, #tpu.memory_space<hbm>>
      tpu.enqueue_dma source(%dma_start3A_18 : memref<1280xf32, #tpu.memory_space<hbm>>) target(%arg10 : memref<1280xf32, #tpu.memory_space<vmem>>) target_semaphore(%run_scoped3A : memref<!tpu.dma_semaphore, #tpu.memory_space<semaphore_mem>>)
      %dma_wait3A = tpu.memref_slice %arg4[%mul3A_0] : memref<20480xf32, #tpu.memory_space<hbm>> -> memref<1280xf32, #tpu.memory_space<hbm>>
      %dma_wait3A_19 = tpu.memref_slice %arg4[%mul3A_0] : memref<20480xf32, #tpu.memory_space<hbm>> -> memref<1280xf32, #tpu.memory_space<hbm>>
      tpu.wait_dma2 semaphore(%run_scoped3A : memref<!tpu.dma_semaphore, #tpu.memory_space<semaphore_mem>>) src(%dma_wait3A_19 : memref<1280xf32, #tpu.memory_space<hbm>>) dst(%arg10 : memref<1280xf32, #tpu.memory_space<vmem>>)
      tpu.yield
    }) : () -> ()
    "tpu.region"() ({
      %run_scoped3A = tpu.sem_alloc : memref<!tpu.dma_semaphore, #tpu.memory_space<semaphore_mem>>
      %dma_start3A = tpu.memref_slice %arg3[%mul3A_0] : memref<20480xf32, #tpu.memory_space<hbm>> -> memref<1280xf32, #tpu.memory_space<hbm>>
      %dma_start3A_18 = tpu.memref_slice %arg3[%mul3A_0] : memref<20480xf32, #tpu.memory_space<hbm>> -> memref<1280xf32, #tpu.memory_space<hbm>>
      tpu.enqueue_dma source(%dma_start3A_18 : memref<1280xf32, #tpu.memory_space<hbm>>) target(%arg9 : memref<1280xf32, #tpu.memory_space<vmem>>) target_semaphore(%run_scoped3A : memref<!tpu.dma_semaphore, #tpu.memory_space<semaphore_mem>>)
      %dma_wait3A = tpu.memref_slice %arg3[%mul3A_0] : memref<20480xf32, #tpu.memory_space<hbm>> -> memref<1280xf32, #tpu.memory_space<hbm>>
      %dma_wait3A_19 = tpu.memref_slice %arg3[%mul3A_0] : memref<20480xf32, #tpu.memory_space<hbm>> -> memref<1280xf32, #tpu.memory_space<hbm>>
      tpu.wait_dma2 semaphore(%run_scoped3A : memref<!tpu.dma_semaphore, #tpu.memory_space<semaphore_mem>>) src(%dma_wait3A_19 : memref<1280xf32, #tpu.memory_space<hbm>>) dst(%arg9 : memref<1280xf32, #tpu.memory_space<vmem>>)
      tpu.yield
    }) : () -> ()
    "tpu.region"() ({
      %run_scoped3A = tpu.sem_alloc : memref<!tpu.dma_semaphore, #tpu.memory_space<semaphore_mem>>
      %dma_start3A = tpu.memref_slice %arg5[%mul3A_0] : memref<20480xf32, #tpu.memory_space<hbm>> -> memref<1280xf32, #tpu.memory_space<hbm>>
      %dma_start3A_18 = tpu.memref_slice %arg5[%mul3A_0] : memref<20480xf32, #tpu.memory_space<hbm>> -> memref<1280xf32, #tpu.memory_space<hbm>>
      tpu.enqueue_dma source(%dma_start3A_18 : memref<1280xf32, #tpu.memory_space<hbm>>) target(%arg11 : memref<1280xf32, #tpu.memory_space<vmem>>) target_semaphore(%run_scoped3A : memref<!tpu.dma_semaphore, #tpu.memory_space<semaphore_mem>>)
      %dma_wait3A = tpu.memref_slice %arg5[%mul3A_0] : memref<20480xf32, #tpu.memory_space<hbm>> -> memref<1280xf32, #tpu.memory_space<hbm>>
      %dma_wait3A_19 = tpu.memref_slice %arg5[%mul3A_0] : memref<20480xf32, #tpu.memory_space<hbm>> -> memref<1280xf32, #tpu.memory_space<hbm>>
      tpu.wait_dma2 semaphore(%run_scoped3A : memref<!tpu.dma_semaphore, #tpu.memory_space<semaphore_mem>>) src(%dma_wait3A_19 : memref<1280xf32, #tpu.memory_space<hbm>>) dst(%arg11 : memref<1280xf32, #tpu.memory_space<vmem>>)
      tpu.yield
    }) : () -> ()
    "tpu.region"() ({
      %run_scoped3A = tpu.sem_alloc : memref<!tpu.dma_semaphore, #tpu.memory_space<semaphore_mem>>
      %dma_start3A = tpu.memref_slice %arg6[%mul3A_0] : memref<20480xf32, #tpu.memory_space<hbm>> -> memref<1280xf32, #tpu.memory_space<hbm>>
      %dma_start3A_18 = tpu.memref_slice %arg6[%mul3A_0] : memref<20480xf32, #tpu.memory_space<hbm>> -> memref<1280xf32, #tpu.memory_space<hbm>>
      tpu.enqueue_dma source(%dma_start3A_18 : memref<1280xf32, #tpu.memory_space<hbm>>) target(%arg13 : memref<1280xf32, #tpu.memory_space<vmem>>) target_semaphore(%run_scoped3A : memref<!tpu.dma_semaphore, #tpu.memory_space<semaphore_mem>>)
      %dma_wait3A = tpu.memref_slice %arg6[%mul3A_0] : memref<20480xf32, #tpu.memory_space<hbm>> -> memref<1280xf32, #tpu.memory_space<hbm>>
      %dma_wait3A_19 = tpu.memref_slice %arg6[%mul3A_0] : memref<20480xf32, #tpu.memory_space<hbm>> -> memref<1280xf32, #tpu.memory_space<hbm>>
      tpu.wait_dma2 semaphore(%run_scoped3A : memref<!tpu.dma_semaphore, #tpu.memory_space<semaphore_mem>>) src(%dma_wait3A_19 : memref<1280xf32, #tpu.memory_space<hbm>>) dst(%arg13 : memref<1280xf32, #tpu.memory_space<vmem>>)
      tpu.yield
    }) : () -> ()
    %iota3A = tpu.iota {dimensions = array<i32: 0>} : vector<16xi32>
    %convert_element_type3A = arith.sitofp %iota3A : vector<16xi32> to vector<16xf32>
    %broadcast_in_dim3A = arith.constant -3.000000e+38 : f32
    %broadcast_in_dim3A_1 = vector.broadcast %broadcast_in_dim3A : f32 to vector<16xf32>
    %broadcast_in_dim3A_2 = arith.constant 0.000000e+00 : f32
    %broadcast_in_dim3A_3 = vector.broadcast %broadcast_in_dim3A_2 : f32 to vector<16xf32>
    %scan3A = arith.constant 0 : i32
    %scan3A_4 = arith.constant 80 : i32
    %scan3A_5 = arith.addi %scan3A, %scan3A_4 : i32
    %scan3A_6 = arith.constant 1 : i32
    %scan3A_7:2 = scf.for %scan3A_18 = %scan3A to %scan3A_5 step %scan3A_6 iter_args(%scan3A_19 = %broadcast_in_dim3A_1, %scan3A_20 = %broadcast_in_dim3A_3) -> (vector<16xf32>, vector<16xf32>)  : i32 {
      %mul3A_21 = arith.constant 16 : i32
      %mul3A_22 = arith.muli %scan3A_18, %mul3A_21 : i32
      %get3A = arith.index_cast %mul3A_22 : i32 to index
      %get3A_23 = tpu.vector_load %arg8[%get3A] {strides = array<i32>} : memref<1280xf32, #tpu.memory_space<vmem>>, vector<16xf32>,
      %mul3A_24 = arith.constant 4.160000e+02 : f32
      %mul3A_25 = vector.broadcast %mul3A_24 : f32 to vector<16xf32>
      %mul3A_26 = arith.mulf %get3A_23, %mul3A_25 : vector<16xf32>
      %get3A_27 = arith.index_cast %mul3A_22 : i32 to index
      %get3A_28 = tpu.vector_load %arg10[%get3A_27] {strides = array<i32>} : memref<1280xf32, #tpu.memory_space<vmem>>, vector<16xf32>,
      %mul3A_29 = arith.constant 4.160000e+02 : f32
      %mul3A_30 = vector.broadcast %mul3A_29 : f32 to vector<16xf32>
      %mul3A_31 = arith.mulf %get3A_28, %mul3A_30 : vector<16xf32>
      %get3A_32 = arith.index_cast %mul3A_22 : i32 to index
      %get3A_33 = tpu.vector_load %arg9[%get3A_32] {strides = array<i32>} : memref<1280xf32, #tpu.memory_space<vmem>>, vector<16xf32>,
      %mul3A_34 = arith.constant 4.160000e+02 : f32
      %mul3A_35 = vector.broadcast %mul3A_34 : f32 to vector<16xf32>
      %mul3A_36 = arith.mulf %get3A_33, %mul3A_35 : vector<16xf32>
      %get3A_37 = arith.index_cast %mul3A_22 : i32 to index
      %get3A_38 = tpu.vector_load %arg11[%get3A_37] {strides = array<i32>} : memref<1280xf32, #tpu.memory_space<vmem>>, vector<16xf32>,
      %mul3A_39 = arith.constant 4.160000e+02 : f32
      %mul3A_40 = vector.broadcast %mul3A_39 : f32 to vector<16xf32>
      %mul3A_41 = arith.mulf %get3A_38, %mul3A_40 : vector<16xf32>
      %mul3A_42 = arith.constant 5.000000e-01 : f32
      %mul3A_43 = vector.broadcast %mul3A_42 : f32 to vector<16xf32>
      %mul3A_44 = arith.mulf %mul3A_31, %mul3A_43 : vector<16xf32>
      %sub3A = arith.subf %mul3A_26, %mul3A_44 : vector<16xf32>
      %mul3A_45 = arith.constant 5.000000e-01 : f32
      %mul3A_46 = vector.broadcast %mul3A_45 : f32 to vector<16xf32>
      %mul3A_47 = arith.mulf %mul3A_31, %mul3A_46 : vector<16xf32>
      %add3A = arith.addf %mul3A_26, %mul3A_47 : vector<16xf32>
      %mul3A_48 = arith.constant 5.000000e-01 : f32
      %mul3A_49 = vector.broadcast %mul3A_48 : f32 to vector<16xf32>
      %mul3A_50 = arith.mulf %mul3A_41, %mul3A_49 : vector<16xf32>
      %sub3A_51 = arith.subf %mul3A_36, %mul3A_50 : vector<16xf32>
      %mul3A_52 = arith.constant 5.000000e-01 : f32
      %mul3A_53 = vector.broadcast %mul3A_52 : f32 to vector<16xf32>
      %mul3A_54 = arith.mulf %mul3A_41, %mul3A_53 : vector<16xf32>
      %add3A_55 = arith.addf %mul3A_36, %mul3A_54 : vector<16xf32>
      %swap3A = arith.index_cast %mul3A_22 : i32 to index
      %swap3A_56 = tpu.vector_load %arg8[%swap3A] {strides = array<i32>} : memref<1280xf32, #tpu.memory_space<vmem>>, vector<16xf32>,
      tpu.vector_store %arg8[%swap3A], %sub3A {strides = array<i32>} : memref<1280xf32, #tpu.memory_space<vmem>>, vector<16xf32>,
      %swap3A_57 = arith.index_cast %mul3A_22 : i32 to index
      %swap3A_58 = tpu.vector_load %arg10[%swap3A_57] {strides = array<i32>} : memref<1280xf32, #tpu.memory_space<vmem>>, vector<16xf32>,
      tpu.vector_store %arg10[%swap3A_57], %add3A {strides = array<i32>} : memref<1280xf32, #tpu.memory_space<vmem>>, vector<16xf32>,
      %swap3A_59 = arith.index_cast %mul3A_22 : i32 to index
      %swap3A_60 = tpu.vector_load %arg9[%swap3A_59] {strides = array<i32>} : memref<1280xf32, #tpu.memory_space<vmem>>, vector<16xf32>,
      tpu.vector_store %arg9[%swap3A_59], %sub3A_51 {strides = array<i32>} : memref<1280xf32, #tpu.memory_space<vmem>>, vector<16xf32>,
      %swap3A_61 = arith.index_cast %mul3A_22 : i32 to index
      %swap3A_62 = tpu.vector_load %arg11[%swap3A_61] {strides = array<i32>} : memref<1280xf32, #tpu.memory_space<vmem>>, vector<16xf32>,
      tpu.vector_store %arg11[%swap3A_61], %add3A_55 {strides = array<i32>} : memref<1280xf32, #tpu.memory_space<vmem>>, vector<16xf32>,
      %sub3A_63 = arith.subf %add3A, %sub3A : vector<16xf32>
      %max3A = arith.constant 0.000000e+00 : f32
      %max3A_64 = vector.broadcast %max3A : f32 to vector<16xf32>
      %max3A_65 = arith.maximumf %sub3A_63, %max3A_64 : vector<16xf32>
      %sub3A_66 = arith.subf %add3A_55, %sub3A_51 : vector<16xf32>
      %max3A_67 = arith.constant 0.000000e+00 : f32
      %max3A_68 = vector.broadcast %max3A_67 : f32 to vector<16xf32>
      %max3A_69 = arith.maximumf %sub3A_66, %max3A_68 : vector<16xf32>
      %mul3A_70 = arith.mulf %max3A_65, %max3A_69 : vector<16xf32>
      %swap3A_71 = arith.index_cast %mul3A_22 : i32 to index
      %swap3A_72 = tpu.vector_load %arg12[%swap3A_71] {strides = array<i32>} : memref<1280xf32, #tpu.memory_space<vmem>>, vector<16xf32>,
      tpu.vector_store %arg12[%swap3A_71], %mul3A_70 {strides = array<i32>} : memref<1280xf32, #tpu.memory_space<vmem>>, vector<16xf32>,
      %get3A_73 = arith.index_cast %mul3A_22 : i32 to index
      %get3A_74 = tpu.vector_load %arg13[%get3A_73] {strides = array<i32>} : memref<1280xf32, #tpu.memory_space<vmem>>, vector<16xf32>,
      %gt3A = arith.constant 5.000000e-02 : f32
      %gt3A_75 = vector.broadcast %gt3A : f32 to vector<16xf32>
      %gt3A_76 = arith.cmpf ogt, %get3A_74, %gt3A_75 : vector<16xf32>
      %jit3A = arith.constant -1.000000e+30 : f32
      %broadcast_in_dim3A_77 = vector.broadcast %jit3A : f32 to vector<16xf32>
      %select_n3A = arith.select %gt3A_76, %get3A_74, %broadcast_in_dim3A_77 : vector<16xi1>, vector<16xf32>
      %swap3A_78 = arith.index_cast %mul3A_22 : i32 to index
      %swap3A_79 = tpu.vector_load %arg13[%swap3A_78] {strides = array<i32>} : memref<1280xf32, #tpu.memory_space<vmem>>, vector<16xf32>,
      tpu.vector_store %arg13[%swap3A_78], %select_n3A {strides = array<i32>} : memref<1280xf32, #tpu.memory_space<vmem>>, vector<16xf32>,
      %mul3A_80 = arith.constant 16 : i32
      %mul3A_81 = arith.muli %scan3A_18, %mul3A_80 : i32
      %add3A_82 = arith.addi %mul3A_0, %mul3A_81 : i32
      %convert_element_type3A_83 = arith.sitofp %add3A_82 : i32 to f32
      %add3A_84 = vector.broadcast %convert_element_type3A_83 : f32 to vector<16xf32>
      %add3A_85 = arith.addf %add3A_84, %convert_element_type3A : vector<16xf32>
      %gt3A_86 = arith.cmpf ogt, %select_n3A, %scan3A_19 : vector<16xf32>
      %select_n3A_87 = arith.select %gt3A_86, %select_n3A, %scan3A_19 : vector<16xi1>, vector<16xf32>
      %select_n3A_88 = arith.select %gt3A_86, %add3A_85, %scan3A_20 : vector<16xi1>, vector<16xf32>
      scf.yield %select_n3A_87, %select_n3A_88 : vector<16xf32>, vector<16xf32>
    }
    %scan3A_8 = arith.constant 80 : i32
    %scan3A_9 = arith.constant 0 : i32
    %scan3A_10 = arith.constant 100 : i32
    %scan3A_11 = arith.addi %scan3A_9, %scan3A_10 : i32
    %scan3A_12 = arith.constant 1 : i32
    %scan3A_13:2 = scf.for %scan3A_18 = %scan3A_9 to %scan3A_11 step %scan3A_12 iter_args(%scan3A_19 = %scan3A_7#0, %scan3A_20 = %scan3A_7#1) -> (vector<16xf32>, vector<16xf32>)  : i32 {
      %reduce_max3A = arith.constant true
      %reduce_max3A_21 = vector.broadcast %reduce_max3A : i1 to vector<16xi1>
      %reduce_max3A_22 = tpu.scan <max>, %scan3A_19 masked %reduce_max3A_21 : vector<16xf32>, vector<16xi1> -> vector<16xf32>
      %reduce_max3A_23 = vector.extract %reduce_max3A_22[15] : f32 from vector<16xf32>
      %eq3A_24 = vector.broadcast %reduce_max3A_23 : f32 to vector<16xf32>
      %eq3A_25 = arith.cmpf oeq, %scan3A_19, %eq3A_24 : vector<16xf32>
      %jit3A = arith.constant 3.000000e+38 : f32
      %broadcast_in_dim3A_26 = vector.broadcast %jit3A : f32 to vector<16xf32>
      %select_n3A = arith.select %eq3A_25, %scan3A_20, %broadcast_in_dim3A_26 : vector<16xi1>, vector<16xf32>
      %reduce_min3A = arith.constant true
      %reduce_min3A_27 = vector.broadcast %reduce_min3A : i1 to vector<16xi1>
      %reduce_min3A_28 = tpu.scan <min>, %select_n3A masked %reduce_min3A_27 : vector<16xf32>, vector<16xi1> -> vector<16xf32>
      %reduce_min3A_29 = vector.extract %reduce_min3A_28[15] : f32 from vector<16xf32>
      %convert_element_type3A_30 = arith.fptosi %reduce_min3A_29 : f32 to i32
      %sub3A = arith.subi %convert_element_type3A_30, %mul3A_0 : i32
      %broadcast_in_dim3A_31 = arith.constant 0 : i32
      %broadcast_in_dim3A_32 = vector.broadcast %broadcast_in_dim3A_31 : i32 to vector<16xi32>
      %add3A = vector.broadcast %sub3A : i32 to vector<16xi32>
      %add3A_33 = arith.addi %broadcast_in_dim3A_32, %add3A : vector<16xi32>
      %gather3A = tpu.vector_load_idx %arg8[%add3A_33] : memref<1280xf32, #tpu.memory_space<vmem>>[vector<16xi32>], vector<16xf32>,
      %gather3A_34 = tpu.vector_load_idx %arg9[%add3A_33] : memref<1280xf32, #tpu.memory_space<vmem>>[vector<16xi32>], vector<16xf32>,
      %gather3A_35 = tpu.vector_load_idx %arg10[%add3A_33] : memref<1280xf32, #tpu.memory_space<vmem>>[vector<16xi32>], vector<16xf32>,
      %gather3A_36 = tpu.vector_load_idx %arg11[%add3A_33] : memref<1280xf32, #tpu.memory_space<vmem>>[vector<16xi32>], vector<16xf32>,
      %gather3A_37 = tpu.vector_load_idx %arg12[%add3A_33] : memref<1280xf32, #tpu.memory_space<vmem>>[vector<16xi32>], vector<16xf32>,
      %iota3A_38 = tpu.iota {dimensions = array<i32: 0>} : vector<16xi32>
      %broadcast_in_dim3A_39 = arith.constant 0.000000e+00 : f32
      %broadcast_in_dim3A_40 = vector.broadcast %broadcast_in_dim3A_39 : f32 to vector<16xf32>
      %eq3A_41 = arith.constant 0 : i32
      %eq3A_42 = vector.broadcast %eq3A_41 : i32 to vector<16xi32>
      %eq3A_43 = arith.cmpi eq, %iota3A_38, %eq3A_42 : vector<16xi32>
      %broadcast_in_dim3A_44 = vector.broadcast %reduce_max3A_23 : f32 to vector<16xf32>
      %select_n3A_45 = arith.select %eq3A_43, %broadcast_in_dim3A_44, %broadcast_in_dim3A_40 : vector<16xi1>, vector<16xf32>
      %eq3A_46 = arith.constant 1 : i32
      %eq3A_47 = vector.broadcast %eq3A_46 : i32 to vector<16xi32>
      %eq3A_48 = arith.cmpi eq, %iota3A_38, %eq3A_47 : vector<16xi32>
      %broadcast_in_dim3A_49 = vector.broadcast %reduce_min3A_29 : f32 to vector<16xf32>
      %select_n3A_50 = arith.select %eq3A_48, %broadcast_in_dim3A_49, %select_n3A_45 : vector<16xi1>, vector<16xf32>
      %eq3A_51 = arith.constant 2 : i32
      %eq3A_52 = vector.broadcast %eq3A_51 : i32 to vector<16xi32>
      %eq3A_53 = arith.cmpi eq, %iota3A_38, %eq3A_52 : vector<16xi32>
      %select_n3A_54 = arith.select %eq3A_53, %gather3A, %select_n3A_50 : vector<16xi1>, vector<16xf32>
      %eq3A_55 = arith.constant 3 : i32
      %eq3A_56 = vector.broadcast %eq3A_55 : i32 to vector<16xi32>
      %eq3A_57 = arith.cmpi eq, %iota3A_38, %eq3A_56 : vector<16xi32>
      %select_n3A_58 = arith.select %eq3A_57, %gather3A_34, %select_n3A_54 : vector<16xi1>, vector<16xf32>
      %eq3A_59 = arith.constant 4 : i32
      %eq3A_60 = vector.broadcast %eq3A_59 : i32 to vector<16xi32>
      %eq3A_61 = arith.cmpi eq, %iota3A_38, %eq3A_60 : vector<16xi32>
      %select_n3A_62 = arith.select %eq3A_61, %gather3A_35, %select_n3A_58 : vector<16xi1>, vector<16xf32>
      %eq3A_63 = arith.constant 5 : i32
      %eq3A_64 = vector.broadcast %eq3A_63 : i32 to vector<16xi32>
      %eq3A_65 = arith.cmpi eq, %iota3A_38, %eq3A_64 : vector<16xi32>
      %select_n3A_66 = arith.select %eq3A_65, %gather3A_36, %select_n3A_62 : vector<16xi1>, vector<16xf32>
      %eq3A_67 = arith.constant 6 : i32
      %eq3A_68 = vector.broadcast %eq3A_67 : i32 to vector<16xi32>
      %eq3A_69 = arith.cmpi eq, %iota3A_38, %eq3A_68 : vector<16xi32>
      %select_n3A_70 = arith.select %eq3A_69, %gather3A_37, %select_n3A_66 : vector<16xi1>, vector<16xf32>
      %swap3A = arith.constant 0 : index
      %swap3A_71 = tpu.vector_load %arg14[%swap3A] {strides = array<i32>} : memref<16xf32, #tpu.memory_space<vmem>>, vector<16xf32>,
      tpu.vector_store %arg14[%swap3A], %select_n3A_70 {strides = array<i32>} : memref<16xf32, #tpu.memory_space<vmem>>, vector<16xf32>,
      %jit3A_72 = arith.constant 2 : i32
      %eq3A_73 = arith.constant 0 : i32
      %eq3A_74 = arith.cmpi eq, %jit3A_72, %eq3A_73 : i32
      %jit3A_75 = arith.constant 1 : i32
      %select_n3A_76 = arith.select %eq3A_74, %jit3A_75, %jit3A_72 : i32
      %rem3A = arith.remsi %scan3A_18, %select_n3A_76 : i32
      %ne3A = arith.constant 0 : i32
      %ne3A_77 = arith.cmpi ne, %rem3A, %ne3A : i32
      %lt3A = arith.constant 0 : i32
      %lt3A_78 = arith.cmpi slt, %rem3A, %lt3A : i32
      %lt3A_79 = arith.constant 0 : i32
      %lt3A_80 = arith.cmpi slt, %select_n3A_76, %lt3A_79 : i32
      %ne3A_81 = arith.xori %lt3A_78, %lt3A_80 : i1
      %and3A = arith.andi %ne3A_81, %ne3A_77 : i1
      %add3A_82 = arith.addi %rem3A, %select_n3A_76 : i32
      %select_n3A_83 = arith.select %and3A, %add3A_82, %rem3A : i32
      %mul3A_84 = arith.constant 256 : i32
      %mul3A_85 = arith.muli %select_n3A_83, %mul3A_84 : i32
      %mul3A_86 = arith.constant 16 : i32
      %mul3A_87 = arith.muli %arg1, %mul3A_86 : i32
      %add3A_88 = arith.addi %mul3A_85, %mul3A_87 : i32
      "tpu.region"() ({
        %run_scoped3A = tpu.sem_alloc : memref<!tpu.dma_semaphore, #tpu.memory_space<semaphore_mem>>
        %dma_start3A = tpu.memref_slice %arg17[%add3A_88] : memref<512xf32, #tpu.memory_space<vmem_shared>> -> memref<16xf32, #tpu.memory_space<vmem_shared>>
        %dma_start3A_154 = tpu.memref_slice %arg17[%add3A_88] : memref<512xf32, #tpu.memory_space<vmem_shared>> -> memref<16xf32, #tpu.memory_space<vmem_shared>>
        tpu.enqueue_dma source(%arg14 : memref<16xf32, #tpu.memory_space<vmem>>) target(%dma_start3A_154 : memref<16xf32, #tpu.memory_space<vmem_shared>>) target_semaphore(%run_scoped3A : memref<!tpu.dma_semaphore, #tpu.memory_space<semaphore_mem>>)
        %dma_wait3A = tpu.memref_slice %arg17[%add3A_88] : memref<512xf32, #tpu.memory_space<vmem_shared>> -> memref<16xf32, #tpu.memory_space<vmem_shared>>
        %dma_wait3A_155 = tpu.memref_slice %arg17[%add3A_88] : memref<512xf32, #tpu.memory_space<vmem_shared>> -> memref<16xf32, #tpu.memory_space<vmem_shared>>
        tpu.wait_dma2 semaphore(%run_scoped3A : memref<!tpu.dma_semaphore, #tpu.memory_space<semaphore_mem>>) src(%arg14 : memref<16xf32, #tpu.memory_space<vmem>>) dst(%dma_wait3A_155 : memref<16xf32, #tpu.memory_space<vmem_shared>>)
        tpu.yield
      }) : () -> ()
      %barrier3A = arith.constant 0 : index
      tpu.barrier barrier_id(%barrier3A)
      "tpu.region"() ({
        %run_scoped3A = tpu.sem_alloc : memref<!tpu.dma_semaphore, #tpu.memory_space<semaphore_mem>>
        %dma_start3A = tpu.memref_slice %arg17[%mul3A_85] : memref<512xf32, #tpu.memory_space<vmem_shared>> -> memref<256xf32, #tpu.memory_space<vmem_shared>>
        %dma_start3A_154 = tpu.memref_slice %arg17[%mul3A_85] : memref<512xf32, #tpu.memory_space<vmem_shared>> -> memref<256xf32, #tpu.memory_space<vmem_shared>>
        tpu.enqueue_dma source(%dma_start3A_154 : memref<256xf32, #tpu.memory_space<vmem_shared>>) target(%arg15 : memref<256xf32, #tpu.memory_space<vmem>>) target_semaphore(%run_scoped3A : memref<!tpu.dma_semaphore, #tpu.memory_space<semaphore_mem>>)
        %dma_wait3A = tpu.memref_slice %arg17[%mul3A_85] : memref<512xf32, #tpu.memory_space<vmem_shared>> -> memref<256xf32, #tpu.memory_space<vmem_shared>>
        %dma_wait3A_155 = tpu.memref_slice %arg17[%mul3A_85] : memref<512xf32, #tpu.memory_space<vmem_shared>> -> memref<256xf32, #tpu.memory_space<vmem_shared>>
        tpu.wait_dma2 semaphore(%run_scoped3A : memref<!tpu.dma_semaphore, #tpu.memory_space<semaphore_mem>>) src(%dma_wait3A_155 : memref<256xf32, #tpu.memory_space<vmem_shared>>) dst(%arg15 : memref<256xf32, #tpu.memory_space<vmem>>)
        tpu.yield
      }) : () -> ()
      %iota3A_89 = tpu.iota {dimensions = array<i32: 0>} : vector<16xi32>
      %mul3A_90 = arith.constant 16 : i32
      %mul3A_91 = vector.broadcast %mul3A_90 : i32 to vector<16xi32>
      %mul3A_92 = arith.muli %iota3A_89, %mul3A_91 : vector<16xi32>
      %gather3A_93 = tpu.vector_load_idx %arg15[%mul3A_92] : memref<256xf32, #tpu.memory_space<vmem>>[vector<16xi32>], vector<16xf32>,
      %reduce_max3A_94 = arith.constant true
      %reduce_max3A_95 = vector.broadcast %reduce_max3A_94 : i1 to vector<16xi1>
      %reduce_max3A_96 = tpu.scan <max>, %gather3A_93 masked %reduce_max3A_95 : vector<16xf32>, vector<16xi1> -> vector<16xf32>
      %reduce_max3A_97 = vector.extract %reduce_max3A_96[15] : f32 from vector<16xf32>
      %eq3A_98 = vector.broadcast %reduce_max3A_97 : f32 to vector<16xf32>
      %eq3A_99 = arith.cmpf oeq, %gather3A_93, %eq3A_98 : vector<16xf32>
      %jit3A_100 = arith.constant 3.000000e+38 : f32
      %broadcast_in_dim3A_101 = vector.broadcast %jit3A_100 : f32 to vector<16xf32>
      %select_n3A_102 = arith.select %eq3A_99, %convert_element_type3A, %broadcast_in_dim3A_101 : vector<16xi1>, vector<16xf32>
      %reduce_min3A_103 = arith.constant true
      %reduce_min3A_104 = vector.broadcast %reduce_min3A_103 : i1 to vector<16xi1>
      %reduce_min3A_105 = tpu.scan <min>, %select_n3A_102 masked %reduce_min3A_104 : vector<16xf32>, vector<16xi1> -> vector<16xf32>
      %reduce_min3A_106 = vector.extract %reduce_min3A_105[15] : f32 from vector<16xf32>
      %convert_element_type3A_107 = arith.fptosi %reduce_min3A_106 : f32 to i32
      %mul3A_108 = arith.constant 16 : i32
      %mul3A_109 = arith.muli %convert_element_type3A_107, %mul3A_108 : i32
      %broadcast_in_dim3A_110 = arith.constant 0 : i32
      %broadcast_in_dim3A_111 = vector.broadcast %broadcast_in_dim3A_110 : i32 to vector<16xi32>
      %add3A_112 = vector.broadcast %mul3A_109 : i32 to vector<16xi32>
      %add3A_113 = arith.addi %broadcast_in_dim3A_111, %add3A_112 : vector<16xi32>
      %get3A = arith.index_cast %mul3A_109 : i32 to index
      %get3A_114 = tpu.vector_load %arg15[%get3A] {strides = array<i32>} : memref<256xf32, #tpu.memory_space<vmem>>, vector<16xf32>,
      %add3A_115 = arith.constant 1 : i32
      %add3A_116 = vector.broadcast %add3A_115 : i32 to vector<16xi32>
      %add3A_117 = arith.addi %add3A_113, %add3A_116 : vector<16xi32>
      %gather3A_118 = tpu.vector_load_idx %arg15[%add3A_117] : memref<256xf32, #tpu.memory_space<vmem>>[vector<16xi32>], vector<16xf32>,
      %add3A_119 = arith.constant 2 : i32
      %add3A_120 = vector.broadcast %add3A_119 : i32 to vector<16xi32>
      %add3A_121 = arith.addi %add3A_113, %add3A_120 : vector<16xi32>
      %gather3A_122 = tpu.vector_load_idx %arg15[%add3A_121] : memref<256xf32, #tpu.memory_space<vmem>>[vector<16xi32>], vector<16xf32>,
      %add3A_123 = arith.constant 3 : i32
      %add3A_124 = vector.broadcast %add3A_123 : i32 to vector<16xi32>
      %add3A_125 = arith.addi %add3A_113, %add3A_124 : vector<16xi32>
      %gather3A_126 = tpu.vector_load_idx %arg15[%add3A_125] : memref<256xf32, #tpu.memory_space<vmem>>[vector<16xi32>], vector<16xf32>,
      %add3A_127 = arith.constant 4 : i32
      %add3A_128 = vector.broadcast %add3A_127 : i32 to vector<16xi32>
      %add3A_129 = arith.addi %add3A_113, %add3A_128 : vector<16xi32>
      %gather3A_130 = tpu.vector_load_idx %arg15[%add3A_129] : memref<256xf32, #tpu.memory_space<vmem>>[vector<16xi32>], vector<16xf32>,
      %add3A_131 = arith.constant 5 : i32
      %add3A_132 = vector.broadcast %add3A_131 : i32 to vector<16xi32>
      %add3A_133 = arith.addi %add3A_113, %add3A_132 : vector<16xi32>
      %gather3A_134 = tpu.vector_load_idx %arg15[%add3A_133] : memref<256xf32, #tpu.memory_space<vmem>>[vector<16xi32>], vector<16xf32>,
      %add3A_135 = arith.constant 6 : i32
      %add3A_136 = vector.broadcast %add3A_135 : i32 to vector<16xi32>
      %add3A_137 = arith.addi %add3A_113, %add3A_136 : vector<16xi32>
      %gather3A_138 = tpu.vector_load_idx %arg15[%add3A_137] : memref<256xf32, #tpu.memory_space<vmem>>[vector<16xi32>], vector<16xf32>,
      %eq3A_139 = arith.constant 0 : i32
      %eq3A_140 = arith.cmpi eq, %arg1, %eq3A_139 : i32
      %convert_element_type3A_141 = arith.extui %eq3A_140 : i1 to i32
      %cond3A_142 = arith.constant 0 : i32
      %cond3A_143 = arith.cmpi ne, %convert_element_type3A_141, %cond3A_142 : i32
      scf.if %cond3A_143 {
        %gt3A = arith.constant 0.000000e+00 : f32
        %gt3A_154 = arith.cmpf ogt, %reduce_max3A_97, %gt3A : f32
        %jit3A_155 = arith.constant 0.000000e+00 : f32
        %broadcast_in_dim3A_156 = vector.broadcast %jit3A_155 : f32 to vector<16xf32>
        %select_n3A_157 = arith.select %gt3A_154, %gather3A_122, %broadcast_in_dim3A_156 : vector<16xf32>
        %jit3A_158 = arith.constant 0.000000e+00 : f32
        %broadcast_in_dim3A_159 = vector.broadcast %jit3A_158 : f32 to vector<16xf32>
        %select_n3A_160 = arith.select %gt3A_154, %gather3A_126, %broadcast_in_dim3A_159 : vector<16xf32>
        %jit3A_161 = arith.constant 0.000000e+00 : f32
        %broadcast_in_dim3A_162 = vector.broadcast %jit3A_161 : f32 to vector<16xf32>
        %select_n3A_163 = arith.select %gt3A_154, %gather3A_130, %broadcast_in_dim3A_162 : vector<16xf32>
        %jit3A_164 = arith.constant 0.000000e+00 : f32
        %broadcast_in_dim3A_165 = vector.broadcast %jit3A_164 : f32 to vector<16xf32>
        %select_n3A_166 = arith.select %gt3A_154, %gather3A_134, %broadcast_in_dim3A_165 : vector<16xf32>
        %jit3A_167 = arith.constant 0.000000e+00 : f32
        %select_n3A_168 = arith.select %gt3A_154, %reduce_max3A_97, %jit3A_167 : f32
        %iota3A_169 = tpu.iota {dimensions = array<i32: 0>} : vector<16xi32>
        %broadcast_in_dim3A_170 = arith.constant 0.000000e+00 : f32
        %broadcast_in_dim3A_171 = vector.broadcast %broadcast_in_dim3A_170 : f32 to vector<16xf32>
        %eq3A_172 = arith.constant 0 : i32
        %eq3A_173 = vector.broadcast %eq3A_172 : i32 to vector<16xi32>
        %eq3A_174 = arith.cmpi eq, %iota3A_169, %eq3A_173 : vector<16xi32>
        %select_n3A_175 = arith.select %eq3A_174, %select_n3A_157, %broadcast_in_dim3A_171 : vector<16xi1>, vector<16xf32>
        %eq3A_176 = arith.constant 1 : i32
        %eq3A_177 = vector.broadcast %eq3A_176 : i32 to vector<16xi32>
        %eq3A_178 = arith.cmpi eq, %iota3A_169, %eq3A_177 : vector<16xi32>
        %select_n3A_179 = arith.select %eq3A_178, %select_n3A_160, %select_n3A_175 : vector<16xi1>, vector<16xf32>
        %eq3A_180 = arith.constant 2 : i32
        %eq3A_181 = vector.broadcast %eq3A_180 : i32 to vector<16xi32>
        %eq3A_182 = arith.cmpi eq, %iota3A_169, %eq3A_181 : vector<16xi32>
        %select_n3A_183 = arith.select %eq3A_182, %select_n3A_163, %select_n3A_179 : vector<16xi1>, vector<16xf32>
        %eq3A_184 = arith.constant 3 : i32
        %eq3A_185 = vector.broadcast %eq3A_184 : i32 to vector<16xi32>
        %eq3A_186 = arith.cmpi eq, %iota3A_169, %eq3A_185 : vector<16xi32>
        %select_n3A_187 = arith.select %eq3A_186, %select_n3A_166, %select_n3A_183 : vector<16xi1>, vector<16xf32>
        %eq3A_188 = arith.constant 4 : i32
        %eq3A_189 = vector.broadcast %eq3A_188 : i32 to vector<16xi32>
        %eq3A_190 = arith.cmpi eq, %iota3A_169, %eq3A_189 : vector<16xi32>
        %broadcast_in_dim3A_191 = vector.broadcast %select_n3A_168 : f32 to vector<16xf32>
        %select_n3A_192 = arith.select %eq3A_190, %broadcast_in_dim3A_191, %select_n3A_187 : vector<16xi1>, vector<16xf32>
        %swap3A_193 = arith.index_cast %scan3A_18 : i32 to index
        %swap3A_194 = arith.constant 0 : index
        %swap3A_195 = tpu.vector_load %arg16[%swap3A_193, %swap3A_194] {strides = array<i32>} : memref<100x16xf32, #tpu.memory_space<vmem>>, vector<16xf32>,
        tpu.vector_store %arg16[%swap3A_193, %swap3A_194], %select_n3A_192 {strides = array<i32>} : memref<100x16xf32, #tpu.memory_space<vmem>>, vector<16xf32>,
      } else {
      }
      %broadcast_in_dim3A_144 = arith.constant -3.000000e+38 : f32
      %broadcast_in_dim3A_145 = vector.broadcast %broadcast_in_dim3A_144 : f32 to vector<16xf32>
      %broadcast_in_dim3A_146 = arith.constant 0.000000e+00 : f32
      %broadcast_in_dim3A_147 = vector.broadcast %broadcast_in_dim3A_146 : f32 to vector<16xf32>
      %scan3A_148 = arith.constant 0 : i32
      %scan3A_149 = arith.constant 80 : i32
      %scan3A_150 = arith.addi %scan3A_148, %scan3A_149 : i32
      %scan3A_151 = arith.constant 1 : i32
      %scan3A_152:2 = scf.for %scan3A_154 = %scan3A_148 to %scan3A_150 step %scan3A_151 iter_args(%scan3A_155 = %broadcast_in_dim3A_145, %scan3A_156 = %broadcast_in_dim3A_147) -> (vector<16xf32>, vector<16xf32>)  : i32 {
        %mul3A_157 = arith.constant 16 : i32
        %mul3A_158 = arith.muli %scan3A_154, %mul3A_157 : i32
        %get3A_159 = arith.index_cast %mul3A_158 : i32 to index
        %get3A_160 = tpu.vector_load %arg8[%get3A_159] {strides = array<i32>} : memref<1280xf32, #tpu.memory_space<vmem>>, vector<16xf32>,
        %get3A_161 = arith.index_cast %mul3A_158 : i32 to index
        %get3A_162 = tpu.vector_load %arg9[%get3A_161] {strides = array<i32>} : memref<1280xf32, #tpu.memory_space<vmem>>, vector<16xf32>,
        %get3A_163 = arith.index_cast %mul3A_158 : i32 to index
        %get3A_164 = tpu.vector_load %arg10[%get3A_163] {strides = array<i32>} : memref<1280xf32, #tpu.memory_space<vmem>>, vector<16xf32>,
        %get3A_165 = arith.index_cast %mul3A_158 : i32 to index
        %get3A_166 = tpu.vector_load %arg11[%get3A_165] {strides = array<i32>} : memref<1280xf32, #tpu.memory_space<vmem>>, vector<16xf32>,
        %max3A = arith.maximumf %gather3A_122, %get3A_160 : vector<16xf32>
        %max3A_167 = arith.maximumf %gather3A_126, %get3A_162 : vector<16xf32>
        %min3A = arith.minimumf %gather3A_130, %get3A_164 : vector<16xf32>
        %min3A_168 = arith.minimumf %gather3A_134, %get3A_166 : vector<16xf32>
        %sub3A_169 = arith.subf %min3A, %max3A : vector<16xf32>
        %max3A_170 = arith.constant 0.000000e+00 : f32
        %max3A_171 = vector.broadcast %max3A_170 : f32 to vector<16xf32>
        %max3A_172 = arith.maximumf %sub3A_169, %max3A_171 : vector<16xf32>
        %sub3A_173 = arith.subf %min3A_168, %max3A_167 : vector<16xf32>
        %max3A_174 = arith.constant 0.000000e+00 : f32
        %max3A_175 = vector.broadcast %max3A_174 : f32 to vector<16xf32>
        %max3A_176 = arith.maximumf %sub3A_173, %max3A_175 : vector<16xf32>
        %mul3A_177 = arith.mulf %max3A_172, %max3A_176 : vector<16xf32>
        %get3A_178 = arith.index_cast %mul3A_158 : i32 to index
        %get3A_179 = tpu.vector_load %arg12[%get3A_178] {strides = array<i32>} : memref<1280xf32, #tpu.memory_space<vmem>>, vector<16xf32>,
        %add3A_180 = arith.addf %gather3A_138, %get3A_179 : vector<16xf32>
        %sub3A_181 = arith.subf %add3A_180, %mul3A_177 : vector<16xf32>
        %max3A_182 = arith.constant 9.99999971E-10 : f32
        %max3A_183 = vector.broadcast %max3A_182 : f32 to vector<16xf32>
        %max3A_184 = arith.maximumf %sub3A_181, %max3A_183 : vector<16xf32>
        %div3A = arith.divf %mul3A_177, %max3A_184 : vector<16xf32>
        %mul3A_185 = arith.constant 16 : i32
        %mul3A_186 = arith.muli %scan3A_154, %mul3A_185 : i32
        %add3A_187 = arith.addi %mul3A_0, %mul3A_186 : i32
        %convert_element_type3A_188 = arith.sitofp %add3A_187 : i32 to f32
        %add3A_189 = vector.broadcast %convert_element_type3A_188 : f32 to vector<16xf32>
        %add3A_190 = arith.addf %add3A_189, %convert_element_type3A : vector<16xf32>
        %gt3A = arith.constant 5.000000e-01 : f32
        %gt3A_191 = vector.broadcast %gt3A : f32 to vector<16xf32>
        %gt3A_192 = arith.cmpf ogt, %div3A, %gt3A_191 : vector<16xf32>
        %eq3A_193 = arith.cmpf oeq, %add3A_190, %gather3A_118 : vector<16xf32>
        %or3A = arith.ori %gt3A_192, %eq3A_193 : vector<16xi1>
        %get3A_194 = arith.index_cast %mul3A_158 : i32 to index
        %get3A_195 = tpu.vector_load %arg13[%get3A_194] {strides = array<i32>} : memref<1280xf32, #tpu.memory_space<vmem>>, vector<16xf32>,
        %jit3A_196 = arith.constant -1.000000e+30 : f32
        %broadcast_in_dim3A_197 = vector.broadcast %jit3A_196 : f32 to vector<16xf32>
        %select_n3A_198 = arith.select %or3A, %broadcast_in_dim3A_197, %get3A_195 : vector<16xi1>, vector<16xf32>
        %swap3A_199 = arith.index_cast %mul3A_158 : i32 to index
        %swap3A_200 = tpu.vector_load %arg13[%swap3A_199] {strides = array<i32>} : memref<1280xf32, #tpu.memory_space<vmem>>, vector<16xf32>,
        tpu.vector_store %arg13[%swap3A_199], %select_n3A_198 {strides = array<i32>} : memref<1280xf32, #tpu.memory_space<vmem>>, vector<16xf32>,
        %gt3A_201 = arith.cmpf ogt, %select_n3A_198, %scan3A_155 : vector<16xf32>
        %select_n3A_202 = arith.select %gt3A_201, %select_n3A_198, %scan3A_155 : vector<16xi1>, vector<16xf32>
        %select_n3A_203 = arith.select %gt3A_201, %add3A_190, %scan3A_156 : vector<16xi1>, vector<16xf32>
        scf.yield %select_n3A_202, %select_n3A_203 : vector<16xf32>, vector<16xf32>
      }
      %scan3A_153 = arith.constant 80 : i32
      scf.yield %scan3A_152#0, %scan3A_152#1 : vector<16xf32>, vector<16xf32>
    }
    %scan3A_14 = arith.constant 100 : i32
    %eq3A = arith.constant 0 : i32
    %eq3A_15 = arith.cmpi eq, %arg1, %eq3A : i32
    %convert_element_type3A_16 = arith.extui %eq3A_15 : i1 to i32
    %cond3A = arith.constant 0 : i32
    %cond3A_17 = arith.cmpi ne, %convert_element_type3A_16, %cond3A : i32
    scf.if %cond3A_17 {
      "tpu.region"() ({
        %run_scoped3A = tpu.sem_alloc : memref<!tpu.dma_semaphore, #tpu.memory_space<semaphore_mem>>
        tpu.enqueue_dma source(%arg16 : memref<100x16xf32, #tpu.memory_space<vmem>>) target(%arg7 : memref<100x16xf32, #tpu.memory_space<hbm>>) target_semaphore(%run_scoped3A : memref<!tpu.dma_semaphore, #tpu.memory_space<semaphore_mem>>)
        tpu.wait_dma2 semaphore(%run_scoped3A : memref<!tpu.dma_semaphore, #tpu.memory_space<semaphore_mem>>) src(%arg16 : memref<100x16xf32, #tpu.memory_space<vmem>>) dst(%arg7 : memref<100x16xf32, #tpu.memory_space<hbm>>)
        tpu.yield
      }) : () -> ()
    } else {
    }
    return
  }
}

</mosaic_0001>

<sc_bundles>
// kernel: _nms_sc.3.cloned.1.call-start
scs
__scs_entry_jumppad:
0x0: {  	(pc) =	sbr.rel $0x88, $3  }
0x1: {  	(tag) =	ssettag $0x0;
	lr =	simm.s32 $0x1  }
0x2: {  	[smem:$0x3F9C] =	sst lr;
	_ =	strace $0xD0000000  }
0x3: {  	_ = 	snop  }
0x4: {  	_ = 	snop  }
0x5: {  	_ = 	snop  }
0x6: {  	_ = 	snop  }
0x7: {  	_ = 	snop  }
__scs_overlays_trampoline_lowered:
0x8: {  	[smem:$0x3FAB] =	sst s0  }
0x9: {  	[smem:$0x3FAC] =	sst s1  }
0xa: {  	[smem:$0x3FAD] =	sst s2  }
0xb: {  	[smem:$0x3FAE] =	sst s3  }
0xc: {  	[smem:$0x3FAF] =	sst s4  }
0xd: {  	[smem:$0x3FB0] =	sst s5  }
0xe: {  	[smem:$0x3FB1] =	sst s6  }
0xf: {  	[smem:$0x3FB2] =	sst s7  }
0x10: {  	[smem:$0x3FB3] =	sst s8  }
0x11: {  	[smem:$0x3FB4] =	sst s9;
	s0 =	simm.s32 @!p0 $0x0  }
0x12: {  	s1 =	sld [smem:$0x3F9A];
	s0 =	simm.s32 @p0 $0x1  }
0x13: {  	[smem:$0x3FB5] =	sst s0;
	s0 =	simm.s32 @!p1 $0x0  }
0x14: {  	s2 =	sld [smem:$0x3F99];
	s0 =	simm.s32 @p1 $0x1  }
0x15: {  	[smem:$0x3FB6] =	sst s0;
	s0 =	simm.s32 @!p2 $0x0  }
0x16: {  	s3 =	sld [smem:$0x3FDB];
	s0 =	simm.s32 @p2 $0x1  }
0x17: {  	s4 =	simm.s32 $0x1BF5;
	[smem:$0x3FB8] =	sst s0  }
0x18: {  	s0 =	sld [smem:$0x3F9B];
	_ =	swait.ge [sflag:s4], $0x0  }
0x19: {  	s7 =	sld [smem:$0x3F9C]  }
0x1a: {  	s8 =	sadd.s32 $0xFFFFE003, lr  }
0x1b: {  	s9 =	sadd.s32 $0xFFFFFEF7, lr;
	s5 =	simm.s32 $0xFFFFFFFF;
	p2 =	slt.u32 s8, $0xFFFFF086  }
0x1c: {  	p1 =	slt.u32 s9, $0xF7A;
	s5 =	simm.s32 @!p2 $0x0  }
0x1d: {  	s5 =	simm.s32 @p1 $0x1;
	p0 =	seq.s32 s7, s2  }
0x1e: {  	s7 =	smul.u32 @!p0 $0xF7A, s2;
	p2 =	seq.s32 @!p0 s5, $0x0  }
0x1f: {  	s9 =	smul.u32 $0xF7A, s1;
	s8 =	simm.s32 @!p0 $0x1BF5;
	p2 =	por !p2, p0  }
0x20: {  	[sflag:s8] =	ssyncset.s32 @!p0 $0xFFFFF086;
	s6 =	sadd.s32 @!p0 s3, s7;
	s7 =	simm.s32 @!p0 $0x108  }
0x21: {  	s3 =	sadd.s32 s3, s9;
	s6 =	sadd.s32 @!p0 $0x88, s6;
	s7 =	simm.s32 @p2 $0x1082  }
0x22: {  	[simem:s7], [sflag:s8] =	dma.local @!p0 [hbm:s6], $0xF7A  }
0x23: {  	s9 =	sor.u32 $0xD0000000, s2;
	s6 =	simm.s32 $0x108;
	_ =	swait.ge @!p0 [sflag:s8], $0x0  }
0x24: {  	s3 =	sadd.s32 $0x88, s3;
	s6 =	simm.s32 @!p1 $0x1082;
	[sflag:s4] =	ssyncset.s32 $0xFFFFF086  }
0x25: {  	[simem:s6], [sflag:s4] =	dma.local [hbm:s3], $0xF7A  }
0x26: {  	[smem:$0x3F9C] =	sst s1;
	(tag) =	ssettag s2;
	_ =	strace s9  }
0x27: {  	s1 =	sld [smem:$0x3FAC]  }
0x28: {  	s2 =	sld [smem:$0x3FAD]  }
0x29: {  	s4 =	sld [smem:$0x3FAF]  }
0x2a: {  	p0 =	seq.s32 s5, $0x0;
	s5 =	sld [smem:$0x3FB0]  }
0x2b: {  	s6 =	sld [smem:$0x3FB1]  }
0x2c: {  	s7 =	sld [smem:$0x3FB2]  }
0x2d: {  	s3 =	simm.s32 $0x108;
	s8 =	sld [smem:$0x3FB3]  }
0x2e: {  	s3 =	simm.s32 @!p0 $0x1082;
	s9 =	sld [smem:$0x3FB4]  }
0x2f: {  	lr =	sadd.s32 s0, s3;
	s0 =	sld [smem:$0x3FAB]  }
0x30: {  	s3 =	sld [smem:$0x3FAE]  }
0x31: {  	[smem:$0x3FB7] =	sst s10  }
0x32: {  	s10 =	sld [smem:$0x3FB5];
	_ =	sdelay $0x3  }
0x33: {  	p0 =	seq.s32 s10, $0x1;
	s10 =	sld [smem:$0x3FB7];
	_ =	sdelay $0x3  }
0x34: {  	[smem:$0x3FB7] =	sst s10  }
0x35: {  	s10 =	sld [smem:$0x3FB6];
	_ =	sdelay $0x3  }
0x36: {  	p1 =	seq.s32 s10, $0x1;
	s10 =	sld [smem:$0x3FB7];
	_ =	sdelay $0x3  }
0x37: {  	[smem:$0x3FB7] =	sst s10  }
0x38: {  	s10 =	sld [smem:$0x3FB8]  }
0x39: {  	_ = 	snop;
	(pc) =	sbr.ind lr, $3  }
0x3a: {  	_ = 	snop  }
0x3b: {  	_ = 	snop  }
0x3c: {  	p2 =	seq.s32 s10, $0x1;
	s10 =	sld [smem:$0x3FB7]  }
0x3d: {  	_ =	shalt  }
0x3e: {  	_ =	shalt  }
0x3f: {  	_ =	shalt  }
0x40: {  	_ =	shalt  }
0x41: {  	_ =	shalt  }
0x42: {  	_ =	shalt  }
0x43: {  	_ =	shalt  }
0x44: {  	_ =	shalt  }
0x45: {  	_ =	shalt  }
0x46: {  	_ =	shalt  }
0x47: {  	_ =	shalt  }
0x48: {  	_ =	shalt  }
0x49: {  	_ =	shalt  }
0x4a: {  	_ =	shalt  }
0x4b: {  	_ =	shalt  }
0x4c: {  	_ =	shalt  }
0x4d: {  	_ =	shalt  }
0x4e: {  	_ =	shalt  }
0x4f: {  	_ =	shalt  }
0x50: {  	_ =	shalt  }
0x51: {  	_ =	shalt  }
0x52: {  	_ =	shalt  }
0x53: {  	_ =	shalt  }
0x54: {  	_ =	shalt  }
0x55: {  	_ =	shalt  }
0x56: {  	_ =	shalt  }
0x57: {  	_ =	shalt  }
0x58: {  	_ =	shalt  }
0x59: {  	_ =	shalt  }
0x5a: {  	_ =	shalt  }
0x5b: {  	_ =	shalt  }
0x5c: {  	_ =	shalt  }
0x5d: {  	_ =	shalt  }
0x5e: {  	_ =	shalt  }
0x5f: {  	_ =	shalt  }
0x60: {  	_ =	shalt  }
0x61: {  	_ =	shalt  }
0x62: {  	_ =	shalt  }
0x63: {  	_ =	shalt  }
0x64: {  	_ =	shalt  }
0x65: {  	_ =	shalt  }
0x66: {  	_ =	shalt  }
0x67: {  	_ =	shalt  }
0x68: {  	_ =	shalt  }
0x69: {  	_ =	shalt  }
0x6a: {  	_ =	shalt  }
0x6b: {  	_ =	shalt  }
0x6c: {  	_ =	shalt  }
0x6d: {  	_ =	shalt  }
0x6e: {  	_ =	shalt  }
0x6f: {  	_ =	shalt  }
0x70: {  	_ =	shalt  }
0x71: {  	_ =	shalt  }
0x72: {  	_ =	shalt  }
0x73: {  	_ =	shalt  }
0x74: {  	_ =	shalt  }
0x75: {  	_ =	shalt  }
0x76: {  	_ =	shalt  }
0x77: {  	_ =	shalt  }
0x78: {  	_ =	shalt  }
0x79: {  	_ =	shalt  }
0x7a: {  	_ =	shalt  }
0x7b: {  	_ =	shalt  }
0x7c: {  	_ =	shalt  }
0x7d: {  	_ =	shalt  }
0x7e: {  	_ =	shalt  }
0x7f: {  	_ =	shalt  }
0x80: {  	_ =	shalt  }
0x81: {  	_ =	shalt  }
0x82: {  	_ =	shalt  }
0x83: {  	_ =	shalt  }
0x84: {  	_ =	shalt  }
0x85: {  	_ =	shalt  }
0x86: {  	_ =	shalt  }
0x87: {  	_ =	shalt  }
.Lfunc_end0:
.L_simem_size_0:
called_computation_lowered:
.L_overlay_start_0:
0x88: {  	s0 =	sld [smem:$0x3FD9]  }
0x89: {  	s1 =	sld [smem:$0x3FFE];
	_ =	sdelay $0x3  }
0x8a: {  	s0 =	sadd.s32 s1, s0  }
0x8b: {  	[smem:$0x3FC3] =	sst s0  }
0x8c: {  	_ = 	snop  }
0x8d: {  	s0 =	sld [smem:$0x3FC9]  }
0x8e: {  	s16 =	sld [smem:$0x3FC8]  }
0x8f: {  	s2 =	sld [smem:$0x3FC7]  }
0x90: {  	s3 =	sld [smem:$0x3FC6]  }
0x91: {  	s4 =	sld [smem:$0x3FC5];
	(tm) =	ssettm $0x1  }
0x92: {  	s5 =	sld [smem:$0x3FFB];
	_ =	sdelay $0x3  }
0x93: {  	_ =	strace s5  }
0x94: {  	s5 =	sld [smem:$0x3FFC];
	_ =	sdelay $0x3  }
0x95: {  	_ =	strace s5  }
0x96: {  	s5 =	sld [smem:$0x3FFD];
	_ =	sdelay $0x3  }
0x97: {  	_ =	strace s5  }
0x98: {  	_ =	strace $0x8FFFFFFF  }
0x99: {  	s17 =	sld [smem:$0x3FDB];
	_ =	sdelay $0x1  }
0x9a: {  	s6 =	simm.s32 $_scs_section_size  }
0x9b: {  	s7 =	simm.s32 $_size__tile_overlayer_lowered;
	s8 =	simm.s32 $_tile_overlayer_lowered  }
0x9c: {  	s20 =	simm.s32 $0x1BFF;
	s19 =	sshll.u32 s8, $0x1;
	s5 =	sadd.s32 s6, s17  }
0x9d: {  	s9 =	simm.s32 $0x0;
	s18 =	sshll.u32 s7, $0x1;
	s7 =	sadd.s32 s19, s5  }
0x9e: {  	[timem:s9], [sflag:s20] =	dma.local [hbm:s7], s18  }
0x9f: {  	_ =	swait.ge [sflag:s20], s18  }
0xa0: {  	s6 =	ssub.s32 $0x0, s18;
	[sflag:s20] =	ssyncset.done $0x0  }
0xa1: {  	[sflag:s20] =	ssyncadd.s32 s6;
	_ =	sdelay $0x1  }
0xa2: {  	s21 =	simm.s32 $0x1B8B  }
0xa3: {  	_ =	swait.ge [sflag:s21], $0x1  }
0xa4: {  	[sflag:s21] =	ssyncset.done $0x0  }
0xa5: {  	s23 =	simm.s32 $0x1B8E;
	s22 =	sld [smem:$0x3FFE];
	[sflag:s21] =	ssyncadd.s32 $0xFFFFFFFF  }
0xa6: {  	s24 =	simm.s32 $execute0_lowered;
	[smem:$0x3FD2] =	sst s23  }
0xa7: {  	s7 =	sshll.u32 s24, $0x1;
	_ =	strace $0x80000046;
	[dreg:$0x1] =	wrdreg $0xFFFFFFFF  }
0xa8: {  	s25 =	simm.s32 $_size_execute0_lowered;
	s5 =	sadd.s32 s5, s7;
	[dreg:$0x0] =	wrdreg $0x0  }
0xa9: {  	s7 =	sshll.u32 s25, $0x1;
	[dreg:$0x2] =	wrdreg s5  }
0xaa: {  	[dreg:$0x3] =	wrdreg s7  }
0xab: {  	[dreg:$0x4] =	wrdreg $0xC0  }
0xac: {  	_ =	task [dreg:s9], $0x5FFFF  }
0xad: {  	[dreg:$0x1] =	wrdreg $0xFFFFFFFF  }
0xae: {  	[dreg:$0x0] =	wrdreg $0x60  }
0xaf: {  	[dreg:$0x2] =	wrdreg s0  }
0xb0: {  	[dreg:$0x3] =	wrdreg s16  }
0xb1: {  	[dreg:$0x4] =	wrdreg s2  }
0xb2: {  	[dreg:$0x5] =	wrdreg s3  }
0xb3: {  	[dreg:$0x6] =	wrdreg s4  }
0xb4: {  	[dreg:$0x7] =	wrdreg s22  }
0xb5: {  	[dreg:$0x8] =	wrdreg $0x53800  }
0xb6: {  	[dreg:$0x9] =	wrdreg $0x9  }
0xb7: {  	_ =	task.clear_ibuf [dreg:s9], $0xAFFFF;
	_ =	strace $0x90000046  }
0xb8: {  	s26 =	simm.s32 $0x9;
	_ =	strace $0x80000048  }
0xb9: {  	_ =	swait.ge [sflag:s26], $0x1  }
0xba: {  	[sflag:s26] =	ssyncadd.s32 $0xFFFFFFFF  }
0xbb: {  	_ =	strace $0x90000048  }
0xbc: {  	_ =	sfence  }
0xbd: {  	s28 =	sld [smem:$0x0];
	_ =	sdelay $0x1  }
0xbe: {  	s29 =	srdreg.scid  }
0xbf: {  	s30 =	sshll.u32 s29, $0xD;
	s31 =	sshrl.u32 s29, $0x2  }
0xc0: {  	s1 =	sand.u32 $0x1, s29;
	s2 =	sand.u32 $0x4000, s30;
	s0 =	sadd.s32 s31, s28  }
0xc1: {  	s1 =	sor.u32 s2, s1;
	s0 =	sshll.u32 s0, $0x11  }
0xc2: {  	s0 =	sor.u32 s0, s1  }
0xc3: {  	s0 =	sadd.s32 $0x8F2B, s0  }
0xc4: {  	[sflag:s0] =	ssyncadd.remote.s32 $0x1  }
0xc5: {  	_ =	sfence.sel $0xFFFF  }
0xc6: {  	[dreg:$0x0] =	wrdreg $0xFFFFFFFF;
	(pc) =	sbr.abs _section_cstart, $3  }
0xc7: {  	[dreg:$0x1] =	wrdreg $0xFFFFFFFF  }
0xc8: {  	_ =	task.clear_ibuf [dreg:s9], $0x2FFFF;
	_ =	strace $0x9FFFFFFF  }
0xc9: {  	(tm) =	ssettm $0x7FFFFFFF  }
tec
execute0_lowered:
.L_overlay_start_1:
0x0: {  	(tag) =	ssettag $0x1  }
0x1: {  	s4 =	rddreg [dreg:$0x0]  }
0x2: {  	s5 =	rddreg [dreg:$0x1]  }
0x3: {  	s7 =	rddreg [dreg:$0x2]  }
0x4: {  	s8 =	rddreg [dreg:$0x3]  }
0x5: {  	s9 =	rddreg [dreg:$0x4]  }
0x6: {  	s3 =	rddreg [dreg:$0x5];
	s6 =	stileid.u32  }
0x7: {  	s1 =	rddreg [dreg:$0x6];
	s2 =	smul.u32 $0x500, s6  }
0x8: {  	s0 =	rddreg [dreg:$0x7];
	s10 =	simm.s32 $0x0  }
0x9: {  	[smem:$0x7FF] =	sst s10;
	s11 =	sshrl.u32 s2, $0x3  }
0xa: {  	s25 =	simm.s32 $0x1;
	_ =	strace $0x80000047;
	s4 =	sadd.s32 s4, s11  }
0xb: {  	[tilespmem:s10], [sflag:$0x1] =	stream.linear.gather [hbm4b:s4+s10], $0x500, $0x38;
	[tilespmem:$0x53A0] =	vst v63  }
0xc: {  	_ =	swait.ge [sflag:s25], $0x500  }
0xd: {  	[sflag:s25] =	ssyncset.done $0x0  }
0xe: {  	s12 =	simm.s32 $0xA00;
	s7 =	sadd.s32 s7, s11;
	[sflag:s25] =	ssyncadd.s32 $0xFFFFFB00  }
0xf: {  	[tilespmem:s12], [sflag:$0x1] =	stream.linear.gather [hbm4b:s7+s10], $0x500, $0x38;
	[tilespmem:$0x53A0] =	vst v63  }
0x10: {  	_ =	swait.ge [sflag:s25], $0x500  }
0x11: {  	[sflag:s25] =	ssyncset.done $0x0  }
0x12: {  	s26 =	simm.s32 $0x500;
	s5 =	sadd.s32 s5, s11;
	[sflag:s25] =	ssyncadd.s32 $0xFFFFFB00  }
0x13: {  	[tilespmem:s26], [sflag:$0x1] =	stream.linear.gather [hbm4b:s5+s10], $0x500, $0x38;
	[tilespmem:$0x53A0] =	vst v63  }
0x14: {  	_ =	swait.ge [sflag:s25], $0x500  }
0x15: {  	[sflag:s25] =	ssyncset.done $0x0  }
0x16: {  	s29 =	simm.s32 $0xF00;
	s28 =	sadd.s32 s8, s11;
	[sflag:s25] =	ssyncadd.s32 $0xFFFFFB00  }
0x17: {  	v0 =	vimm.f32 $1.500000000e+01;
	vm13 =	vcmask $0x300;
	[tilespmem:s29], [sflag:$0x1] =	stream.linear.gather [hbm4b:s28+s10], $0x500, $0x38;
	[tilespmem:$0x53A0] =	vst v63  }
0x18: {  	vm11 =	vcmask $0x704;
	v0 =	vsel vm13, $0x0, v0;
	_ =	swait.ge [sflag:s25], $0x500  }
0x19: {  	vm12 =	vcmask $0xB08;
	v0 =	vsel vm11, $0x3F800000, v0;
	[sflag:s25] =	ssyncset.done $0x0  }
0x1a: {  	s31 =	simm.s32 $0x1900;
	vm14 =	vcmask $0xF0C;
	v0 =	vsel vm12, $0x40000000, v0;
	s30 =	sadd.s32 s9, s11;
	[sflag:s25] =	ssyncadd.s32 $0xFFFFFB00  }
0x1b: {  	vm1 =	vcmask $0x1310;
	v0 =	vsel vm14, $0x40400000, v0;
	[tilespmem:s31], [sflag:$0x1] =	stream.linear.gather [hbm4b:s30+s10], $0x500, $0x38;
	[tilespmem:$0x53A0] =	vst v63  }
0x1c: {  	vm3 =	vcmask $0x1714;
	v0 =	vsel vm1, $0x40800000, v0;
	_ =	swait.ge [sflag:s25], $0x500  }
0x1d: {  	vm5 =	vcmask $0x1B18;
	v0 =	vsel vm3, $0x40A00000, v0;
	[sflag:s25] =	ssyncset.done $0x0  }
0x1e: {  	vm9 =	vcmask $0x1F1C;
	v0 =	vsel vm5, $0x40C00000, v0;
	s5 =	simm.s32 $0x0;
	[sflag:s25] =	ssyncadd.s32 $0xFFFFFB00  }
0x1f: {  	vm10 =	vcmask $0x2320;
	v0 =	vsel vm9, $0x40E00000, v0;
	v3 =	vld [tilespmem:s5+$0x1900]  }
0x20: {  	vm0 =	vcmask $0x2724;
	v0 =	vsel vm10, $0x41000000, v0;
	v2 =	vld [tilespmem:s5+$0xA00]  }
0x21: {  	vm2 =	vcmask $0x2B28;
	v0 =	vsel vm0, $0x41100000, v0;
	v4 =	vld [tilespmem:s5+$0xF00]  }
0x22: {  	vm4 =	vcmask $0x2F2C;
	v0 =	vsel vm2, $0x41200000, v0;
	v5 =	vld [tilespmem:s5+$0x0]  }
0x23: {  	vm6 =	vcmask $0x3330;
	v0 =	vsel vm4, $0x41300000, v0;
	v7 =	vld [tilespmem:s5+$0x500]  }
0x24: {  	v1 =	vimm.f32 $-3.000000010e+38;
	vm8 =	vcmask $0x3734;
	v0 =	vsel vm6, $0x41400000, v0  }
0x25: {  	vm7 =	vcmask $0x3B38;
	s4 =	scvt.s32.f32 s2;
	v0 =	vsel vm8, $0x41500000, v0;
	v6 =	vmul.f32 $4.160000000e+02, v2  }
0x26: {  	v0 =	vsel vm7, $0x41600000, v0;
	v2 =	vimm.f32 $0.0e+00;
	v8 =	vmul.f32 $4.160000000e+02, v4  }
0x27: {  	s3 =	sadd.s32 $0x400, s3;
	v5 =	vmul.f32 $4.160000000e+02, v5;
	v4 =	vadd.f32 s4, v0;
	v6 =	vmul.f32 $5.000000000e-01, v6  }
0x28: {  	s8 =	simm.s32 $0x40;
	s9 =	simm.s32 $0x80;
	s7 =	smov.u32 s2;
	v7 =	vmul.f32 $4.160000000e+02, v7;
	vm15 =	vgt.f32 v3, $5.000000070e-02;
	v8 =	vmul.f32 $5.000000000e-01, v8  }
.LBB2_1:
0x29: {  	p0 =	sne.s32 s9, $0x13C0;
	v9 =	vsub.f32 v5, v6;
	v5 =	vadd.f32 v6, v5;
	v3 =	vnsel vm15, $0xF149F2CA, v3  }
0x2a: {  	v6 =	vsub.f32 v7, v8;
	v7 =	vadd.f32 v8, v7;
	[tilespmem:s5+$0x1900] =	vst v3;
	vm15 =	vgt.f32 v3, v1  }
0x2b: {  	s10 =	sshra.s32 s8, $0x2;
	s8 =	smov.u32 s9;
	[tilespmem:s5+$0xA00] =	vst v5;
	v5 =	vsub.f32 v5, v9;
	v1 =	vsel vm15, v3, v1;
	v2 =	vsel vm15, v4, v2  }
0x2c: {  	v3 =	vld [tilespmem:s10+$0x1900];
	[tilespmem:s5+$0xF00] =	vst v7;
	v4 =	vsub.f32 v7, v6  }
0x2d: {  	v7 =	vld [tilespmem:s10+$0xA00];
	[tilespmem:s5+$0x500] =	vst v6;
	v5 =	vmax.f32 v5, $0.0e+00  }
0x2e: {  	v6 =	vld [tilespmem:s10+$0xF00];
	[tilespmem:s5+$0x0] =	vst v9;
	v4 =	vmax.f32 v4, $0.0e+00  }
0x2f: {  	v8 =	vld [tilespmem:s10+$0x0];
	v4 =	vmul.f32 v4, v5  }
0x30: {  	v9 =	vld [tilespmem:s10+$0x500]  }
.Ltmp0:
0x31: {  	s7 =	sadd.s32 $0x10, s7;
	[tilespmem:s5+$0x1400] =	vst v4;
	s5 =	smov.u32 s10;
	(pc) =	sbr.rel @p0 .LBB2_1-.Ltmp0, $4  }
0x32: {  	s10 =	scvt.s32.f32 s7;
	v4 =	vmul.f32 $4.160000000e+02, v7  }
0x33: {  	v10 =	vmul.f32 $4.160000000e+02, v6  }
0x34: {  	v5 =	vmul.f32 $4.160000000e+02, v8;
	v6 =	vmul.f32 $5.000000000e-01, v4;
	v4 =	vadd.f32 s10, v0  }
0x35: {  	s9 =	sadd.s32 $0x40, s9;
	vm15 =	vgt.f32 v3, $5.000000070e-02;
	v7 =	vmul.f32 $4.160000000e+02, v9;
	v8 =	vmul.f32 $5.000000000e-01, v10  }
0x36: {  	v9 =	vadd.f32 v6, v5;
	v3 =	vnsel vm15, $0xF149F2CA, v3  }
0x37: {  	[tilespmem:s5+$0x1900] =	vst v3;
	v10 =	vadd.f32 v8, v7  }
0x38: {  	s12 =	sshra.s32 s8, $0x2;
	v56 =	vsub.f32 v7, v8;
	[tilespmem:s5+$0xA00] =	vst v9  }
0x39: {  	v5 =	vsub.f32 v5, v6;
	v11 =	vld [tilespmem:s12+$0x1900];
	[tilespmem:s5+$0xF00] =	vst v10  }
0x3a: {  	v57 =	vld [tilespmem:s12+$0xA00];
	[tilespmem:s5+$0x500] =	vst v56  }
0x3b: {  	v13 =	vimm.f32 $1.500000000e+01;
	v58 =	vld [tilespmem:s12+$0xF00];
	[tilespmem:s5+$0x0] =	vst v5  }
0x3c: {  	s7 =	sadd.s32 $0x10, s7;
	vm15 =	vgt.f32 v3, v1;
	v13 =	vsel vm13, $0x0, v13;
	v12 =	vld [tilespmem:s12+$0x0]  }
0x3d: {  	s7 =	scvt.s32.f32 s7;
	v1 =	vsel vm15, v3, v1;
	v2 =	vsel vm15, v4, v2;
	v4 =	vsel vm11, $0x3F800000, v13;
	v3 =	vld [tilespmem:s12+$0x500]  }
0x3e: {  	v4 =	vsel vm12, $0x40000000, v4  }
0x3f: {  	v7 =	vsub.f32 v10, v56;
	v0 =	vadd.f32 s7, v0;
	v8 =	vmul.f32 $4.160000000e+02, v57  }
0x40: {  	v4 =	vsel vm14, $0x40400000, v4;
	v5 =	vsub.f32 v9, v5;
	v6 =	vmul.f32 $4.160000000e+02, v58  }
0x41: {  	v7 =	vmax.f32 v7, $0.0e+00;
	v59 =	vmul.f32 $4.160000000e+02, v12;
	v8 =	vmul.f32 $5.000000000e-01, v8  }
0x42: {  	v5 =	vmax.f32 v5, $0.0e+00;
	v3 =	vmul.f32 $4.160000000e+02, v3;
	v6 =	vmul.f32 $5.000000000e-01, v6  }
0x43: {  	vm11 =	vgt.f32 v11, $5.000000070e-02;
	v5 =	vmul.f32 v7, v5;
	v60 =	vsub.f32 v59, v8  }
0x44: {  	v11 =	vnsel vm11, $0xF149F2CA, v11;
	v8 =	vadd.f32 v8, v59;
	v61 =	vsub.f32 v3, v6  }
0x45: {  	v6 =	vadd.f32 v6, v3;
	v3 =	vsel vm1, $0x40800000, v4;
	vm1 =	vgt.f32 v11, v1  }
0x46: {  	v3 =	vsel vm3, $0x40A00000, v3;
	v4 =	vsub.f32 v8, v60;
	v2 =	vsel vm1, v0, v2  }
0x47: {  	vm3 =	vcmask $0xB1C;
	v62 =	vsub.f32 v6, v61;
	v3 =	vsel vm5, $0x40C00000, v3  }
0x48: {  	vm5 =	vcmask $0x131C;
	v0 =	vsel vm9, $0x40E00000, v3;
	v4 =	vmax.f32 v4, $0.0e+00  }
0x49: {  	p0 =	sne.s32 s6, $0x0;
	[tilespmem:s5+$0x1400] =	vst v5;
	v3 =	vsel vm1, v11, v1;
	vm1 =	vcmask $0x31C;
	v0 =	vsel vm10, $0x41000000, v0  }
0x4a: {  	[tilespmem:s12+$0x1900] =	vst v11;
	v1 =	vlaneseq.u32;
	vm9 =	vcmask @!p0 $0x714;
	v0 =	vsel vm0, $0x41100000, v0  }
0x4b: {  	[tilespmem:s12+$0xA00] =	vst v8;
	v63 =	vmax.f32 v62, $0.0e+00;
	vm10 =	vcmask @!p0 $0xB14;
	v0 =	vsel vm2, $0x41200000, v0  }
0x4c: {  	s10 =	sshll.u32 s6, $0x6;
	s6 =	simm.s32 $0x500;
	[tilespmem:s12+$0x0] =	vst v60;
	v4 =	vmul.f32 v63, v4;
	vm0 =	vmmov $0x1;
	v0 =	vsel vm4, $0x41300000, v0  }
0x4d: {  	s8 =	simm.s32 $0xF00;
	s9 =	simm.s32 $0x1400;
	s11 =	simm.s32 $0x1E00;
	[tilespmem:s12+$0xF00] =	vst v6;
	vm2 =	vcmask $0x71C;
	vm4 =	vcmask $0xF1C;
	v0 =	vsel vm6, $0x41400000, v0  }
0x4e: {  	s13 =	simm.s32 $0x1E80;
	s14 =	simm.s32 $0x0;
	s10 =	sshrl.u32 s10, $0x2;
	[tilespmem:s12+$0x500] =	vst v61;
	vm6 =	vcmask $0x171C;
	v5 =	vsel vm8, $0x41500000, v0;
	v0 =	vmul.u32 $0x10, v1  }
0x4f: {  	s7 =	simm.s32 $0xA00;
	s5 =	simm.s32 $0x0;
	[tilespmem:s12+$0x1400] =	vst v4;
	s12 =	simm.s32 $0x1;
	vm8 =	vcmask @!p0 $0x314;
	v1 =	vsel vm7, $0x41600000, v5;
	vm7 =	vmmov @!p0 $0x1  }
.LBB2_3:
0x50: {  	(xrf0) =	vmax.scan.msk.f32 $0xffff, v3;
	_ =	sdelay $0x5  }
0x51: {  	v4, _, _ =	vpop (xrf0)  }
0x52: {  	v4 =	vbroadcast v4, $0xF;
	_ =	sdelay $0x1  }
0x53: {  	vm11 =	veq.f32 v3, v4  }
0x54: {  	v2 =	vnsel vm11, $0x7F61B1E6, v2  }
0x55: {  	(xrf0) =	vmin.scan.msk.f32 $0xffff, v2;
	_ =	sdelay $0x5  }
0x56: {  	v2, _, _ =	vpop (xrf0)  }
0x57: {  	(v2sf) =	vpush v2, $0xF;
	_ =	sdelay $0xe  }
0x58: {  	s15 =	spop (v2sf)  }
0x59: {  	s15 =	scvt.f32.s32 s15;
	_ =	sdelay $0x1  }
0x5a: {  	s15 =	ssub.s32 s15, s2  }
0x5b: {  	v3 =	vmov s15;
	_ =	sdelay $0x4  }
0x5c: {  	v5 =	vld.idx.msk [tilespmem:v3+s5+$0x0], $0xffff  }
0x5d: {  	v6 =	vld.idx.msk [tilespmem:v3+s6+$0x0], $0xffff  }
0x5e: {  	v2 =	vbroadcast v2, $0xF;
	v7 =	vld.idx.msk [tilespmem:v3+s7+$0x0], $0xffff  }
0x5f: {  	v4 =	vnsel vm0, $0x0, v4;
	v8 =	vld.idx.msk [tilespmem:v3+s8+$0x0], $0xffff  }
0x60: {  	v2 =	vsel vm1, v4, v2;
	v3 =	vld.idx.msk [tilespmem:v3+s9+$0x0], $0xffff  }
0x61: {  	v2 =	vsel vm2, v2, v5  }
0x62: {  	v2 =	vsel vm3, v2, v6  }
0x63: {  	s30 =	sshll.u32 s14, $0x8;
	v2 =	vsel vm4, v2, v7  }
0x64: {  	s15 =	sand.u32 $0x100, s30;
	v2 =	vsel vm5, v2, v8  }
0x65: {  	s15 =	sadd.s32 s15, s1;
	v2 =	vsel vm6, v2, v3  }
0x66: {  	s16 =	sadd.s32 s10, s15;
	[tilespmem:$0x1E00] =	vst v2  }
0x67: {  	[spmem:s16] =	stream.linear.scatter [tilespmem:s11], [sflag:$0x1], $0x10, $0x38;
	[tilespmem:$0x53A0] =	vst v63  }
0x68: {  	_ =	swait.ge [sflag:s12], $0x10  }
0x69: {  	[sflag:s12] =	ssyncset.done $0x0  }
0x6a: {  	[sflag:s12] =	ssyncadd.s32 $0xFFFFFFF0  }
0x6b: {  	[bflag:$0x0] =	sbarrier.arrive $0xFFFF  }
0x6c: {  	[tilespmem:s13], [sflag:$0x1] =	stream.linear.gather [spmem:s15], $0x100, $0x38;
	[tilespmem:$0x53A0] =	vst v63  }
0x6d: {  	_ =	swait.ge [sflag:s12], $0x100  }
0x6e: {  	[sflag:s12] =	ssyncset.done $0x0  }
0x6f: {  	[sflag:s12] =	ssyncadd.s32 $0xFFFFFF00  }
0x70: {  	v2 =	vld.idx.msk [tilespmem:v0+s13+$0x0], $0xffff;
	_ =	sdelay $0x4  }
0x71: {  	(xrf0) =	vmax.scan.msk.f32 $0xffff, v2;
	_ =	sdelay $0x5  }
0x72: {  	v3, _, _ =	vpop (xrf0)  }
0x73: {  	v4 =	vbroadcast v3, $0xF;
	_ =	sdelay $0x1  }
0x74: {  	vm11 =	veq.f32 v2, v4  }
0x75: {  	v2 =	vnsel vm11, $0x7F61B1E6, v1  }
0x76: {  	(xrf0) =	vmin.scan.msk.f32 $0xffff, v2;
	_ =	sdelay $0x5  }
0x77: {  	v2, _, _ =	vpop (xrf0)  }
0x78: {  	(v2sf) =	vpush v2, $0xF;
	_ =	sdelay $0xb  }
0x79: {  	(v2sf) =	vpush @!p0 v3, $0xF;
	_ =	sdelay $0x2  }
0x7a: {  	s31 =	spop (v2sf)  }
0x7b: {  	s15 =	scvt.f32.s32 s31;
	_ =	sdelay $0x1  }
0x7c: {  	s15 =	sshll.u32 s15, $0x4  }
0x7d: {  	v2 =	vmov s15  }
0x7e: {  	v3 =	vor.u32 $0x2, v2  }
0x7f: {  	v4 =	vor.u32 $0x3, v2  }
0x80: {  	v7 =	vor.u32 $0x4, v2  }
0x81: {  	v8 =	vor.u32 $0x5, v2;
	_ =	sdelay $0x1  }
0x82: {  	v6 =	vld.idx.msk [tilespmem:v3+s13+$0x0], $0xffff  }
0x83: {  	v5 =	vld.idx.msk [tilespmem:v4+s13+$0x0], $0xffff  }
0x84: {  	s15 =	spop @!p0 (v2sf);
	v3 =	vld.idx.msk [tilespmem:v7+s13+$0x0], $0xffff  }
0x85: {  	p1 =	sgt.f32 @!p0 s15, $0.0e+00;
	v4 =	vld.idx.msk [tilespmem:v8+s13+$0x0], $0xffff;
	_ =	sdelay $0x1  }
0x86: {  	p1 =	por !p1, p0;
	v8 =	vmov v6  }
0x87: {  	v9 =	vor.u32 $0x6, v2;
	v7 =	vor.u32 $0x1, v2;
	v2 =	vmovc v5;
	v8 =	vpsel p1, $0x0, v8  }
0x88: {  	v10 =	vmov v3;
	v2 =	vpsel p1, $0x0, v2;
	v8 =	vnsel @!p0 vm7, $0x0, v8  }
0x89: {  	v11 =	vmov v4;
	v10 =	vpsel p1, $0x0, v10;
	v2 =	vsel @!p0 vm8, v8, v2  }
0x8a: {  	v11 =	vpsel p1, $0x0, v11;
	v8 =	vsel @!p0 vm9, v2, v10;
	v10 =	vlaneseq.u32 @!p0  }
0x8b: {  	s16 =	sshll.u32 @!p0 s14, $0x7;
	s15 =	simm.s32 @p1 $0x0;
	v8 =	vsel @!p0 vm10, v8, v11;
	vm11 =	veq.s32 @!p0 v10, $0x4  }
0x8c: {  	v2 =	vld.idx.msk [tilespmem:v7+s13+$0x0], $0xffff;
	v8 =	vsel @!p0 vm11, s15, v8;
	s15 =	sand.u32 @!p0 $0x3FFFFF80, s16  }
0x8d: {  	s20 =	simm.s32 $0x0;
	v7 =	vld.idx.msk [tilespmem:v9+s13+$0x0], $0xffff;
	[tilespmem:s15+$0x1F80] =	vst @!p0 v8  }
0x8e: {  	v8 =	vld [tilespmem:s20+$0x0]  }
0x8f: {  	v9 =	vld [tilespmem:s20+$0x500]  }
0x90: {  	v10 =	vld [tilespmem:s20+$0xA00]  }
0x91: {  	v11 =	vld [tilespmem:s20+$0xF00];
	_ =	sdelay $0x3  }
0x92: {  	v12 =	vld [tilespmem:s20+$0x1400];
	v8 =	vmax.f32 v6, v8  }
0x93: {  	v9 =	vmax.f32 v5, v9;
	v10 =	vmin.f32 v3, v10;
	v11 =	vmin.f32 v4, v11  }
0x94: {  	s16 =	simm.s32 $0x10;
	v8 =	vsub.f32 v10, v8;
	v9 =	vsub.f32 v11, v9  }
0x95: {  	v13 =	vld [tilespmem:s16+$0xA00]  }
0x96: {  	v10 =	vld [tilespmem:s16+$0x0];
	v8 =	vmax.f32 v8, $0.0e+00;
	v9 =	vmax.f32 v9, $0.0e+00  }
0x97: {  	v11 =	vld [tilespmem:s16+$0x500];
	v14 =	vmul.f32 v9, v8;
	v8 =	vadd.f32 v12, v7  }
0x98: {  	v9 =	vld [tilespmem:s16+$0xF00]  }
0x99: {  	v8 =	vsub.f32 v8, v14;
	_ =	sdelay $0x1  }
0x9a: {  	s15 =	simm.s32 $0x20;
	v15 =	vld [tilespmem:s16+$0x1400];
	v8 =	vmax.f32 v8, $9.999999710e-10  }
0x9b: {  	v16 =	vld [tilespmem:s15+$0x0];
	v10 =	vmax.f32 v6, v10;
	(erf) = vrcp.f32 v8  }
0x9c: {  	v17 =	vld [tilespmem:s15+$0x500];
	v8 =	vmax.f32 v5, v11;
	v11 =	vmin.f32 v3, v13;
	v9 =	vmin.f32 v4, v9  }
0x9d: {  	v13 =	vld [tilespmem:s15+$0xA00];
	v10 =	vsub.f32 v11, v10;
	v8 =	vsub.f32 v9, v8  }
0x9e: {  	v11 =	vld [tilespmem:s15+$0xF00]  }
0x9f: {  	v9 =	vmax.f32 v10, $0.0e+00;
	v8 =	vmax.f32 v8, $0.0e+00  }
0xa0: {  	v12 =	vmul.f32 v8, v9;
	v8 =	vadd.f32 v15, v7;
	_ =	sdelay $0x1  }
0xa1: {  	s18 =	simm.s32 $0x30;
	v10 =	vld [tilespmem:s15+$0x1400];
	v9 =	vmax.f32 v6, v16;
	v18 =	vsub.f32 v8, v12  }
0xa2: {  	v15 =	vld [tilespmem:s18+$0x0];
	v16 =	vmax.f32 v5, v17;
	v8 =	vmin.f32 v3, v13;
	v11 =	vmin.f32 v4, v11  }
0xa3: {  	v19 =	vld [tilespmem:s18+$0xA00];
	v13 =	vsub.f32 v8, v9;
	v11 =	vsub.f32 v11, v16;
	v16 =	vmax.f32 v18, $9.999999710e-10  }
0xa4: {  	v17 =	vld [tilespmem:s18+$0x500];
	v22 =	vpop (erf);
	(erf) = vrcp.f32 v16  }
0xa5: {  	v9 =	vadd.f32 s4, v1;
	v18 =	vld [tilespmem:s20+$0x1900];
	v13 =	vmax.f32 v13, $0.0e+00;
	v11 =	vmax.f32 v11, $0.0e+00  }
0xa6: {  	v21 =	vld [tilespmem:s18+$0xF00];
	v10 =	vadd.f32 v10, v7;
	v14 =	vmul.f32 v22, v14;
	v11 =	vmul.f32 v11, v13  }
0xa7: {  	v20 =	vimm.f32 $-3.000000010e+38;
	s17 =	simm.s32 $0x40;
	v62 =	vmax.f32 v6, v15  }
0xa8: {  	vm12 =	veq.f32 v9, v2;
	v15 =	vld [tilespmem:s17+$0x0];
	vm11 =	vgt.f32 v14, $5.000000000e-01;
	v10 =	vsub.f32 v10, v11  }
0xa9: {  	v8 =	vimm.f32 $0.0e+00;
	v23 =	vmax.f32 v5, v17;
	v16 =	vld [tilespmem:s17+$0xA00];
	vm11 =	vmor vm12, vm11  }
0xaa: {  	s19 =	sadd.s32 $0x10, s2;
	v17 =	vmin.f32 v3, v19;
	v13 =	vld [tilespmem:s18+$0x1400];
	v63 =	vsel vm11, $0xF149F2CA, v18;
	v10 =	vmax.f32 v10, $9.999999710e-10  }
0xab: {  	s21 =	scvt.s32.f32 s19;
	v19 =	vmin.f32 v4, v21;
	v14 =	vld [tilespmem:s17+$0x500];
	[tilespmem:s20+$0x1900] =	vst v63;
	vm11 =	vgt.f32 v63, v20;
	(erf) = vrcp.f32 v10  }
0xac: {  	v19 =	vsub.f32 v19, v23;
	v18 =	vsub.f32 v17, v62;
	s20 =	simm.s32 $0x140;
	v17 =	vld [tilespmem:s17+$0xF00];
	v10 =	vsel vm11, v63, v20  }
.LBB2_4:
0xad: {  	p1 =	sne.s32 s20, $0x13C0;
	v20 =	vld [tilespmem:s16+$0x1900];
	v21 =	vpop (erf);
	v8 =	vsel vm11, v9, v8;
	v9 =	vadd.f32 s21, v1  }
0xae: {  	v18 =	vmax.f32 v18, $0.0e+00;
	v19 =	vmax.f32 v19, $0.0e+00;
	v21 =	vmul.f32 v21, v12;
	v12 =	vmovc v11  }
0xaf: {  	v11 =	vmul.f32 v19, v18;
	v18 =	vadd.f32 v13, v7  }
.Ltmp1:
0xb0: {  	s22 =	sshra.s32 s20, $0x2;
	v19 =	vmax.f32 v6, v15;
	vm12 =	veq.f32 v9, v2;
	v13 =	vld [tilespmem:s17+$0x1400];
	vm11 =	vgt.f32 v21, $5.000000000e-01;
	(pc) =	sbr.rel @p1 .LBB2_4-.Ltmp1, $4  }
0xb1: {  	v21 =	vmax.f32 v5, v14;
	v15 =	vld [tilespmem:s22+$0x0];
	v22 =	vsub.f32 v18, v11;
	vm11 =	vmor vm12, vm11  }
0xb2: {  	s19 =	sadd.s32 $0x10, s19;
	v18 =	vmin.f32 v3, v16;
	v23 =	vmin.f32 v4, v17;
	v14 =	vld [tilespmem:s22+$0x500];
	v20 =	vsel vm11, $0xF149F2CA, v20  }
0xb3: {  	s21 =	scvt.s32.f32 s19;
	v18 =	vsub.f32 v18, v19;
	v16 =	vld [tilespmem:s22+$0xA00];
	v22 =	vmax.f32 v22, $9.999999710e-10;
	[tilespmem:s16+$0x1900] =	vst v20;
	vm11 =	vgt.f32 v20, v10;
	s16 =	smov.u32 s15;
	s15 =	smov.u32 s18  }
0xb4: {  	s20 =	sadd.s32 $0x40, s20;
	v19 =	vsub.f32 v23, v21;
	s18 =	smov.u32 s17;
	s17 =	smov.u32 s22;
	v17 =	vld [tilespmem:s22+$0xF00];
	(erf) = vrcp.f32 v22;
	v10 =	vsel vm11, v20, v10  }
0xb5: {  	_ = 	snop  }
0xb6: {  	v20 =	vpop (erf);
	v18 =	vmax.f32 v18, $0.0e+00;
	v53 =	vadd.f32 s21, v1;
	v19 =	vmax.f32 v19, $0.0e+00  }
0xb7: {  	v21 =	vld [tilespmem:s16+$0x1900];
	v13 =	vadd.f32 v13, v7;
	v12 =	vmul.f32 v20, v12;
	v18 =	vmul.f32 v19, v18  }
0xb8: {  	v6 =	vmax.f32 v6, v15;
	vm13 =	veq.f32 v53, v2  }
0xb9: {  	v54 =	vld [tilespmem:s17+$0x1400];
	v5 =	vmax.f32 v5, v14;
	vm12 =	vgt.f32 v12, $5.000000000e-01;
	v13 =	vsub.f32 v13, v18  }
0xba: {  	v3 =	vmin.f32 v3, v16;
	vm12 =	vmor vm13, vm12;
	v4 =	vmin.f32 v4, v17  }
0xbb: {  	v3 =	vsub.f32 v3, v6;
	v4 =	vsub.f32 v4, v5;
	v55 =	vmax.f32 v13, $9.999999710e-10  }
0xbc: {  	s19 =	sadd.s32 $0x10, s19;
	v5 =	vsel vm12, $0xF149F2CA, v21;
	(erf) = vrcp.f32 v55  }
0xbd: {  	s20 =	scvt.s32.f32 s19;
	[tilespmem:s16+$0x1900] =	vst v5;
	v3 =	vmax.f32 v3, $0.0e+00;
	v4 =	vmax.f32 v4, $0.0e+00  }
0xbe: {  	v56 =	vld [tilespmem:s15+$0x1900];
	v57 =	vpop (erf);
	v3 =	vmul.f32 v4, v3;
	v4 =	vadd.f32 v54, v7  }
0xbf: {  	v58 =	vadd.f32 s20, v1;
	v11 =	vmul.f32 v57, v11  }
0xc0: {  	v4 =	vsub.f32 v4, v3  }
0xc1: {  	vm13 =	veq.f32 v58, v2;
	vm12 =	vgt.f32 v11, $5.000000000e-01  }
0xc2: {  	vm12 =	vmor vm13, vm12;
	v4 =	vmax.f32 v4, $9.999999710e-10  }
0xc3: {  	s30 =	sadd.s32 $0x10, s19;
	v6 =	vsel vm12, $0xF149F2CA, v56;
	(erf) = vrcp.f32 v4  }
0xc4: {  	s19 =	scvt.s32.f32 s30;
	[tilespmem:s15+$0x1900] =	vst v6  }
0xc5: {  	v4 =	vld [tilespmem:s18+$0x1900];
	v59 =	vpop (erf)  }
0xc6: {  	v60 =	vadd.f32 s19, v1;
	v11 =	vmul.f32 v59, v18;
	_ =	sdelay $0x1  }
0xc7: {  	vm13 =	veq.f32 v60, v2;
	vm12 =	vgt.f32 v11, $5.000000000e-01  }
0xc8: {  	vm12 =	vmor vm13, vm12  }
0xc9: {  	s31 =	sadd.s32 $0x10, s30;
	v4 =	vsel vm12, $0xF149F2CA, v4  }
0xca: {  	s15 =	scvt.s32.f32 s31;
	[tilespmem:s18+$0x1900] =	vst v4  }
0xcb: {  	vm12 =	vgt.f32 v5, v10;
	v62 =	vpop (erf);
	v61 =	vld [tilespmem:s17+$0x1900]  }
0xcc: {  	s14 =	sadd.s32 $0x1, s14;
	v63 =	vadd.f32 s15, v1;
	v5 =	vsel vm12, v5, v10;
	v3 =	vmul.f32 v62, v3  }
0xcd: {  	v8 =	vsel vm11, v9, v8;
	p1 =	sne.s32 s14, $0x64;
	vm11 =	vgt.f32 v6, v5  }
.Ltmp2:
0xce: {  	vm14 =	veq.f32 v63, v2;
	v5 =	vsel vm11, v6, v5;
	vm13 =	vgt.f32 v3, $5.000000000e-01;
	(pc) =	sbr.rel @p1 .LBB2_3-.Ltmp2, $4  }
0xcf: {  	v2 =	vsel vm12, v53, v8;
	vm12 =	vmor vm14, vm13;
	vm13 =	vgt.f32 v4, v5  }
0xd0: {  	v2 =	vsel vm11, v58, v2;
	v3 =	vsel vm13, v4, v5;
	v4 =	vsel vm12, $0xF149F2CA, v61  }
0xd1: {  	v2 =	vsel vm13, v60, v2;
	vm11 =	vgt.f32 v4, v3  }
0xd2: {  	[tilespmem:s17+$0x1900] =	vst v4;
	v3 =	vsel vm11, v4, v3;
	v2 =	vsel vm11, v63, v2  }
0xd3: {  	_ =	sfence.sel @p0 $0x180000  }
0xd4: {  	[bflag:$0x0] =	sbarrier.arrive @p0 $0xFFFF  }
0xd5: {  	_ =	strace @p0 $0x90000047  }
0xd6: {  	s1 =	simm.s32 @!p0 $0x0;
	s2 =	simm.s32 @!p0 $0x1F80;
	[bflag:$0x2] =	sbarrier.arrive @p0 $0xFFFF  }
0xd7: {  	[hbm4b:s3+s1] =	stream.linear.scatter @!p0 [tilespmem:s2], [sflag:$0x1], $0x3200, $0x38;
	[tilespmem:$0x53A0] =	vst v63  }
0xd8: {  	s1 =	simm.s32 @!p0 $0x1  }
0xd9: {  	_ =	swait.ge @!p0 [sflag:s1], $0x3200  }
0xda: {  	[sflag:s1] =	ssyncset.done @!p0 $0x0  }
0xdb: {  	[sflag:s1] =	ssyncadd.s32 @!p0 $0xFFFFCE00  }
0xdc: {  	_ =	sfence.sel @!p0 $0x180000  }
0xdd: {  	[bflag:$0x0] =	sbarrier.arrive @!p0 $0xFFFF  }
0xde: {  	_ =	strace @!p0 $0x90000047  }
0xdf: {  	s0 =	sadd.s32 @!p0 $0x100000, s0;
	[bflag:$0x2] =	sbarrier.arrive @!p0 $0xFFFF  }
0xe0: {  	[sflag:s0] =	ssyncadd.tile.s32 @!p0 $0x1;
	_ =	shalt  }
.Lfunc_end2:
_tile_overlayer_lowered:
.L_overlay_start_2:
0xe1: {  	(tag) =	ssettag $0x2  }
0xe2: {  	s0 =	rddreg [dreg:$0x0];
	s2 =	stileid.u32  }
0xe3: {  	s1 =	rddreg [dreg:$0x1];
	p0 =	sne.s32 s2, $0x0  }
0xe4: {  	s3 =	rddreg [dreg:$0x2];
	[bflag:$0x3] =	sbarrier.arrive $0xFFFF;
	s2 =	simm.s32 @!p0 $0x1C01  }
0xe5: {  	[timem:s3], [sflag:s2] =	dma.local @!p0 [hbm:s0], s1  }
0xe6: {  	s0 =	simm.s32 @!p0 $0x1  }
0xe7: {  	_ =	swait.ge @!p0 [sflag:s0], s1  }
0xe8: {  	s1 =	ssub.s32 @!p0 $0x0, s1;
	[sflag:s0] =	ssyncset.done @!p0 $0x0  }
0xe9: {  	[sflag:s0] =	ssyncadd.s32 @!p0 s1  }
0xea: {  	[bflag:$0x3] =	sbarrier.arrive $0xFFFF  }
0xeb: {  	_ =	shalt  }

</sc_bundles>
